<compile_context>
chip_gen: v7x
topology: tpu7x:2x2x1
jax: 0.10.2.dev20260603
libtpu: 0.0.44.dev20260713+nightly
codegen_flags: <defaults>
</compile_context>

<pallas_src>
import functools

import jax
import jax.numpy as jnp
from jax import lax
from jax.experimental import pallas as pl
from jax.experimental.pallas import tpu as pltpu
from jax.experimental.pallas import tpu_sc as plsc

_VOCAB = 100000
_D = 64
_SEQ = 200
_BATCH = 4096
_TOTAL = _BATCH * _SEQ

_NC = 2
_NS = 16
_NW = _NC * _NS
_PER_W = _TOTAL // _NW
_CHUNK = _SEQ
_N = _PER_W // _CHUNK
_R = 4
_A = 2

_mesh = plsc.VectorSubcoreMesh(
    core_axis_name="c", subcore_axis_name="s", num_cores=_NC, num_subcores=_NS
)


@functools.partial(
    pl.kernel,
    out_type=jax.ShapeDtypeStruct((_TOTAL, _D), jnp.float32),
    mesh=_mesh,
    scratch_types=[
        pltpu.VMEM((_PER_W,), jnp.int32),
        [pltpu.VMEM((_CHUNK, _D), jnp.float32) for _ in range(_R)],
        pltpu.VMEM((_SEQ, _D), jnp.float32),
        [pltpu.SemaphoreType.DMA for _ in range(_R)],
        [pltpu.SemaphoreType.DMA for _ in range(_R)],
    ],
    compiler_params=pltpu.CompilerParams(use_tc_tiling_on_sc=False),
)
def _embed(ids_hbm, tok_hbm, pos_hbm, out_hbm,
           idx_all, rows_v, pos_v, gsem, ssem):
    wid = lax.axis_index("s") * _NC + lax.axis_index("c")
    base_w = wid * _PER_W

    pltpu.sync_copy(ids_hbm.at[pl.ds(base_w, _PER_W)], idx_all)
    pltpu.sync_copy(pos_hbm, pos_v)

    def fire_gathers(g, b):
        pltpu.async_copy(
            tok_hbm.at[idx_all.at[pl.ds(g * _CHUNK, _CHUNK)]], rows_v[b], gsem[b]
        )

    def wait_gathers(b):
        pltpu.make_async_copy(
            out_hbm.at[pl.ds(0, _CHUNK)], rows_v[b], gsem[b]
        ).wait()

    def fire_store(g, b):
        pltpu.async_copy(
            rows_v[b], out_hbm.at[pl.ds(base_w + g * _CHUNK, _CHUNK)], ssem[b]
        )

    def wait_store(b):
        pltpu.make_async_copy(
            rows_v[b], out_hbm.at[pl.ds(0, _CHUNK)], ssem[b]
        ).wait()

    def add_pos(b):
        rv = rows_v[b]

        @plsc.parallel_loop(0, _SEQ, unroll=4)
        def _(r):
            for k in range(_D // 16):
                plsc.addupdate(
                    rv.at[r, pl.ds(k * 16, 16)], pos_v[r, pl.ds(k * 16, 16)]
                )

    def body(g, b, *, gather_ahead=True, store_wait=True):
        wait_gathers(b)
        if gather_ahead:
            nb = (b + _A) % _R
            if store_wait:
                wait_store(nb)
            fire_gathers(g + _A, nb)
        add_pos(b)
        fire_store(g, b)

    for b in range(_A):
        fire_gathers(b, b)

    for g in range(_R):
        body(g, g, store_wait=(g >= _A))

    @pl.loop(_R, _N - _R, step=_R)
    def _(g0):
        for b in range(_R):
            body(g0 + b, b)

    for g in range(_N - _R, _N):
        body(g, g % _R, gather_ahead=(g < _N - _A))

    for b in range(_R):
        wait_store(b)


@jax.jit
def kernel(input_ids, token_table, pos_table):
    ids_flat = input_ids.reshape(-1).astype(jnp.int32)
    out = _embed(ids_flat, token_table, pos_table)
    return out.reshape(input_ids.shape[0], input_ids.shape[1], _D)

# --- scband reference (transcript-rebuilt; emitter-appended) ---
"""Pipeline reference for scband-siglip-text-embeddings-29008209117906 (READ-ONLY COPY).

The authoritative reference and input builder live on the scoring server;
editing this copy changes nothing except your own understanding.
"""

import jax, jax.numpy as jnp
import numpy as np

VOCAB = 100000
EMBED_DIM = 64
MAX_POS = 200
BATCH = 4096
SEQ = 200

def setup_inputs(seed: int = 0) -> dict:
    key = jax.random.key(seed)
    k_ids, k_tok, k_pos = jax.random.split(key, 3)
    input_ids = jax.random.randint(k_ids, (BATCH, SEQ), 0, VOCAB, dtype=jnp.int64)
    token_table = jax.random.normal(k_tok, (VOCAB, EMBED_DIM), dtype=jnp.float32) * 0.02
    pos_table = jax.random.normal(k_pos, (MAX_POS, EMBED_DIM), dtype=jnp.float32) * 0.02
    return {"input_ids": input_ids, "token_table": token_table, "pos_table": pos_table}

def reference(input_ids, token_table, pos_table):
    seq_length = input_ids.shape[-1]
    max_position_embedding = pos_table.shape[0]
    position_ids = jax.lax.dynamic_slice_in_dim(jnp.arange(max_position_embedding), start_index=0, slice_size=seq_length)
    inputs_embeds = jnp.take(token_table, input_ids, axis=0)
    position_embeddings = jnp.take(pos_table, position_ids, axis=0)
    embeddings = inputs_embeds + position_embeddings
    return embeddings

if __name__ == "__main__":
    import jax
    _d = setup_inputs()
    print(jax.jit(kernel)(*tuple(_d.values())))

</pallas_src>

<mosaic_0001>
#map = affine_map<(d0, d1) -> (0)>
#map1 = affine_map<(d0, d1) -> (0, 0)>
module attributes {stable_mosaic.version = 14 : i64} {
  func.func @_embed(%arg0: i32, %arg1: i32, %arg2: memref<819200xi32, #tpu.memory_space<hbm>>, %arg3: memref<100000x64xf32, #tpu.memory_space<hbm>>, %arg4: memref<200x64xf32, #tpu.memory_space<hbm>>, %arg5: memref<819200x64xf32, #tpu.memory_space<hbm>>, %arg6: memref<25600xi32, #tpu.memory_space<vmem>>, %arg7: memref<200x64xf32, #tpu.memory_space<vmem>>, %arg8: memref<200x64xf32, #tpu.memory_space<vmem>>, %arg9: memref<200x64xf32, #tpu.memory_space<vmem>>, %arg10: memref<200x64xf32, #tpu.memory_space<vmem>>, %arg11: memref<200x64xf32, #tpu.memory_space<vmem>>, %arg12: memref<!tpu.dma_semaphore, #tpu.memory_space<semaphore_mem>>, %arg13: memref<!tpu.dma_semaphore, #tpu.memory_space<semaphore_mem>>, %arg14: memref<!tpu.dma_semaphore, #tpu.memory_space<semaphore_mem>>, %arg15: memref<!tpu.dma_semaphore, #tpu.memory_space<semaphore_mem>>, %arg16: memref<!tpu.dma_semaphore, #tpu.memory_space<semaphore_mem>>, %arg17: memref<!tpu.dma_semaphore, #tpu.memory_space<semaphore_mem>>, %arg18: memref<!tpu.dma_semaphore, #tpu.memory_space<semaphore_mem>>, %arg19: memref<!tpu.dma_semaphore, #tpu.memory_space<semaphore_mem>>) attributes {dimension_semantics = [#tpu.dimension_semantics<core_parallel>, #tpu.dimension_semantics<subcore_parallel>], iteration_bounds = array<i64: 2, 16>, scalar_prefetch = 0 : i64, scratch_operands = 14 : i64, tpu.core_type = #tpu.core_type<sc_vector_subcore>, window_params = [{transform_indices = #map}, {transform_indices = #map1}, {transform_indices = #map1}, {transform_indices = #map1}]} {
    %mul3A = arith.constant 2 : i32
    %mul3A_0 = arith.muli %arg1, %mul3A : i32
    %add3A = arith.addi %mul3A_0, %arg0 : i32
    %mul3A_1 = arith.constant 25600 : i32
    %mul3A_2 = arith.muli %add3A, %mul3A_1 : i32
    "tpu.region"() ({
      %run_scoped3A = tpu.sem_alloc : memref<!tpu.dma_semaphore, #tpu.memory_space<semaphore_mem>>
      %dma_start3A_212 = tpu.memref_slice %arg2[%mul3A_2] : memref<819200xi32, #tpu.memory_space<hbm>> -> memref<25600xi32, #tpu.memory_space<hbm>>
      %dma_start3A_213 = tpu.memref_slice %arg2[%mul3A_2] : memref<819200xi32, #tpu.memory_space<hbm>> -> memref<25600xi32, #tpu.memory_space<hbm>>
      tpu.enqueue_dma source(%dma_start3A_213 : memref<25600xi32, #tpu.memory_space<hbm>>) target(%arg6 : memref<25600xi32, #tpu.memory_space<vmem>>) target_semaphore(%run_scoped3A : memref<!tpu.dma_semaphore, #tpu.memory_space<semaphore_mem>>)
      %dma_wait3A_214 = tpu.memref_slice %arg2[%mul3A_2] : memref<819200xi32, #tpu.memory_space<hbm>> -> memref<25600xi32, #tpu.memory_space<hbm>>
      %dma_wait3A_215 = tpu.memref_slice %arg2[%mul3A_2] : memref<819200xi32, #tpu.memory_space<hbm>> -> memref<25600xi32, #tpu.memory_space<hbm>>
      tpu.wait_dma2 semaphore(%run_scoped3A : memref<!tpu.dma_semaphore, #tpu.memory_space<semaphore_mem>>) src(%dma_wait3A_215 : memref<25600xi32, #tpu.memory_space<hbm>>) dst(%arg6 : memref<25600xi32, #tpu.memory_space<vmem>>)
      tpu.yield
    }) : () -> ()
    "tpu.region"() ({
      %run_scoped3A = tpu.sem_alloc : memref<!tpu.dma_semaphore, #tpu.memory_space<semaphore_mem>>
      tpu.enqueue_dma source(%arg4 : memref<200x64xf32, #tpu.memory_space<hbm>>) target(%arg11 : memref<200x64xf32, #tpu.memory_space<vmem>>) target_semaphore(%run_scoped3A : memref<!tpu.dma_semaphore, #tpu.memory_space<semaphore_mem>>)
      tpu.wait_dma2 semaphore(%run_scoped3A : memref<!tpu.dma_semaphore, #tpu.memory_space<semaphore_mem>>) src(%arg4 : memref<200x64xf32, #tpu.memory_space<hbm>>) dst(%arg11 : memref<200x64xf32, #tpu.memory_space<vmem>>)
      tpu.yield
    }) : () -> ()
    %dma_start3A = arith.constant 0 : i32
    %dma_start3A_3 = tpu.memref_slice %arg6[%dma_start3A] : memref<25600xi32, #tpu.memory_space<vmem>> -> memref<200xi32, #tpu.memory_space<vmem>>
    %dma_start3A_4 = arith.constant 0 : i32
    %dma_start3A_5 = arith.constant 0 : i32
    %dma_start3A_6 = tpu.memref_slice %arg3[%dma_start3A_4, %dma_start3A_5] : memref<100000x64xf32, #tpu.memory_space<hbm>> -> memref<100000x64xf32, #tpu.memory_space<hbm>>
    tpu.enqueue_indirect_dma source(%dma_start3A_6 : memref<100000x64xf32, #tpu.memory_space<hbm>>) target(%arg7 : memref<200x64xf32, #tpu.memory_space<vmem>>) offsets(%dma_start3A_3 : memref<200xi32, #tpu.memory_space<vmem>>) semaphore(%arg12 : memref<!tpu.dma_semaphore, #tpu.memory_space<semaphore_mem>>)
    %dma_start3A_7 = arith.constant 200 : i32
    %dma_start3A_8 = tpu.memref_slice %arg6[%dma_start3A_7] : memref<25600xi32, #tpu.memory_space<vmem>> -> memref<200xi32, #tpu.memory_space<vmem>>
    %dma_start3A_9 = arith.constant 0 : i32
    %dma_start3A_10 = arith.constant 0 : i32
    %dma_start3A_11 = tpu.memref_slice %arg3[%dma_start3A_9, %dma_start3A_10] : memref<100000x64xf32, #tpu.memory_space<hbm>> -> memref<100000x64xf32, #tpu.memory_space<hbm>>
    tpu.enqueue_indirect_dma source(%dma_start3A_11 : memref<100000x64xf32, #tpu.memory_space<hbm>>) target(%arg8 : memref<200x64xf32, #tpu.memory_space<vmem>>) offsets(%dma_start3A_8 : memref<200xi32, #tpu.memory_space<vmem>>) semaphore(%arg13 : memref<!tpu.dma_semaphore, #tpu.memory_space<semaphore_mem>>)
    %dma_wait3A = arith.constant 0 : i32
    %dma_wait3A_12 = arith.constant 0 : i32
    %dma_wait3A_13 = tpu.memref_slice %arg5[%dma_wait3A, %dma_wait3A_12] : memref<819200x64xf32, #tpu.memory_space<hbm>> -> memref<200x64xf32, #tpu.memory_space<hbm>>
    %dma_wait3A_14 = arith.constant 0 : i32
    %dma_wait3A_15 = arith.constant 0 : i32
    %dma_wait3A_16 = tpu.memref_slice %arg5[%dma_wait3A_14, %dma_wait3A_15] : memref<819200x64xf32, #tpu.memory_space<hbm>> -> memref<200x64xf32, #tpu.memory_space<hbm>>
    tpu.wait_dma2 semaphore(%arg12 : memref<!tpu.dma_semaphore, #tpu.memory_space<semaphore_mem>>) src(%dma_wait3A_16 : memref<200x64xf32, #tpu.memory_space<hbm>>) dst(%arg7 : memref<200x64xf32, #tpu.memory_space<vmem>>)
    %dma_start3A_17 = arith.constant 400 : i32
    %dma_start3A_18 = tpu.memref_slice %arg6[%dma_start3A_17] : memref<25600xi32, #tpu.memory_space<vmem>> -> memref<200xi32, #tpu.memory_space<vmem>>
    %dma_start3A_19 = arith.constant 0 : i32
    %dma_start3A_20 = arith.constant 0 : i32
    %dma_start3A_21 = tpu.memref_slice %arg3[%dma_start3A_19, %dma_start3A_20] : memref<100000x64xf32, #tpu.memory_space<hbm>> -> memref<100000x64xf32, #tpu.memory_space<hbm>>
    tpu.enqueue_indirect_dma source(%dma_start3A_21 : memref<100000x64xf32, #tpu.memory_space<hbm>>) target(%arg9 : memref<200x64xf32, #tpu.memory_space<vmem>>) offsets(%dma_start3A_18 : memref<200xi32, #tpu.memory_space<vmem>>) semaphore(%arg14 : memref<!tpu.dma_semaphore, #tpu.memory_space<semaphore_mem>>)
    %parallel_loop3A = arith.constant 0 : i32
    %parallel_loop3A_22 = arith.constant 200 : i32
    %parallel_loop3A_23 = arith.constant 1 : i32
    scf.for %parallel_loop3A_212 = %parallel_loop3A to %parallel_loop3A_22 step %parallel_loop3A_23  : i32 {
      %parallel_loop3A_213 = arith.index_cast %parallel_loop3A_212 : i32 to index
      %parallel_loop3A_214 = arith.constant 0 : index
      %parallel_loop3A_215 = tpu.vector_load %arg11[%parallel_loop3A_213, %parallel_loop3A_214] {strides = array<i32>} : memref<200x64xf32, #tpu.memory_space<vmem>>, vector<1x16xf32>,
      %parallel_loop3A_216 = vector.shape_cast %parallel_loop3A_215 : vector<1x16xf32> to vector<16xf32>
      %parallel_loop3A_217 = arith.index_cast %parallel_loop3A_212 : i32 to index
      %parallel_loop3A_218 = arith.constant 0 : index
      %parallel_loop3A_219 = tpu.vector_load %arg7[%parallel_loop3A_217, %parallel_loop3A_218] {strides = array<i32>} : memref<200x64xf32, #tpu.memory_space<vmem>>, vector<1x16xf32>,
      %parallel_loop3A_220 = vector.shape_cast %parallel_loop3A_219 : vector<1x16xf32> to vector<16xf32>
      %parallel_loop3A_221 = vector.shape_cast %parallel_loop3A_216 : vector<16xf32> to vector<1x16xf32>
      tpu.vector_store %arg7[%parallel_loop3A_217, %parallel_loop3A_218], %parallel_loop3A_221 {add = true, strides = array<i32>} : memref<200x64xf32, #tpu.memory_space<vmem>>, vector<1x16xf32>,
      %parallel_loop3A_222 = arith.index_cast %parallel_loop3A_212 : i32 to index
      %parallel_loop3A_223 = arith.constant 16 : index
      %parallel_loop3A_224 = tpu.vector_load %arg11[%parallel_loop3A_222, %parallel_loop3A_223] {strides = array<i32>} : memref<200x64xf32, #tpu.memory_space<vmem>>, vector<1x16xf32>,
      %parallel_loop3A_225 = vector.shape_cast %parallel_loop3A_224 : vector<1x16xf32> to vector<16xf32>
      %parallel_loop3A_226 = arith.index_cast %parallel_loop3A_212 : i32 to index
      %parallel_loop3A_227 = arith.constant 16 : index
      %parallel_loop3A_228 = tpu.vector_load %arg7[%parallel_loop3A_226, %parallel_loop3A_227] {strides = array<i32>} : memref<200x64xf32, #tpu.memory_space<vmem>>, vector<1x16xf32>,
      %parallel_loop3A_229 = vector.shape_cast %parallel_loop3A_228 : vector<1x16xf32> to vector<16xf32>
      %parallel_loop3A_230 = vector.shape_cast %parallel_loop3A_225 : vector<16xf32> to vector<1x16xf32>
      tpu.vector_store %arg7[%parallel_loop3A_226, %parallel_loop3A_227], %parallel_loop3A_230 {add = true, strides = array<i32>} : memref<200x64xf32, #tpu.memory_space<vmem>>, vector<1x16xf32>,
      %parallel_loop3A_231 = arith.index_cast %parallel_loop3A_212 : i32 to index
      %parallel_loop3A_232 = arith.constant 32 : index
      %parallel_loop3A_233 = tpu.vector_load %arg11[%parallel_loop3A_231, %parallel_loop3A_232] {strides = array<i32>} : memref<200x64xf32, #tpu.memory_space<vmem>>, vector<1x16xf32>,
      %parallel_loop3A_234 = vector.shape_cast %parallel_loop3A_233 : vector<1x16xf32> to vector<16xf32>
      %parallel_loop3A_235 = arith.index_cast %parallel_loop3A_212 : i32 to index
      %parallel_loop3A_236 = arith.constant 32 : index
      %parallel_loop3A_237 = tpu.vector_load %arg7[%parallel_loop3A_235, %parallel_loop3A_236] {strides = array<i32>} : memref<200x64xf32, #tpu.memory_space<vmem>>, vector<1x16xf32>,
      %parallel_loop3A_238 = vector.shape_cast %parallel_loop3A_237 : vector<1x16xf32> to vector<16xf32>
      %parallel_loop3A_239 = vector.shape_cast %parallel_loop3A_234 : vector<16xf32> to vector<1x16xf32>
      tpu.vector_store %arg7[%parallel_loop3A_235, %parallel_loop3A_236], %parallel_loop3A_239 {add = true, strides = array<i32>} : memref<200x64xf32, #tpu.memory_space<vmem>>, vector<1x16xf32>,
      %parallel_loop3A_240 = arith.index_cast %parallel_loop3A_212 : i32 to index
      %parallel_loop3A_241 = arith.constant 48 : index
      %parallel_loop3A_242 = tpu.vector_load %arg11[%parallel_loop3A_240, %parallel_loop3A_241] {strides = array<i32>} : memref<200x64xf32, #tpu.memory_space<vmem>>, vector<1x16xf32>,
      %parallel_loop3A_243 = vector.shape_cast %parallel_loop3A_242 : vector<1x16xf32> to vector<16xf32>
      %parallel_loop3A_244 = arith.index_cast %parallel_loop3A_212 : i32 to index
      %parallel_loop3A_245 = arith.constant 48 : index
      %parallel_loop3A_246 = tpu.vector_load %arg7[%parallel_loop3A_244, %parallel_loop3A_245] {strides = array<i32>} : memref<200x64xf32, #tpu.memory_space<vmem>>, vector<1x16xf32>,
      %parallel_loop3A_247 = vector.shape_cast %parallel_loop3A_246 : vector<1x16xf32> to vector<16xf32>
      %parallel_loop3A_248 = vector.shape_cast %parallel_loop3A_243 : vector<16xf32> to vector<1x16xf32>
      tpu.vector_store %arg7[%parallel_loop3A_244, %parallel_loop3A_245], %parallel_loop3A_248 {add = true, strides = array<i32>} : memref<200x64xf32, #tpu.memory_space<vmem>>, vector<1x16xf32>,
    } {sc.loop_unroll_factor = 4 : i64, sc.parallel_access}
    %add3A_24 = arith.constant 0 : i32
    %add3A_25 = arith.addi %mul3A_2, %add3A_24 : i32
    %dma_start3A_26 = arith.constant 0 : i32
    %dma_start3A_27 = tpu.memref_slice %arg5[%add3A_25, %dma_start3A_26] : memref<819200x64xf32, #tpu.memory_space<hbm>> -> memref<200x64xf32, #tpu.memory_space<hbm>>
    %dma_start3A_28 = arith.constant 0 : i32
    %dma_start3A_29 = tpu.memref_slice %arg5[%add3A_25, %dma_start3A_28] : memref<819200x64xf32, #tpu.memory_space<hbm>> -> memref<200x64xf32, #tpu.memory_space<hbm>>
    tpu.enqueue_dma source(%arg7 : memref<200x64xf32, #tpu.memory_space<vmem>>) target(%dma_start3A_29 : memref<200x64xf32, #tpu.memory_space<hbm>>) target_semaphore(%arg16 : memref<!tpu.dma_semaphore, #tpu.memory_space<semaphore_mem>>)
    %dma_wait3A_30 = arith.constant 0 : i32
    %dma_wait3A_31 = arith.constant 0 : i32
    %dma_wait3A_32 = tpu.memref_slice %arg5[%dma_wait3A_30, %dma_wait3A_31] : memref<819200x64xf32, #tpu.memory_space<hbm>> -> memref<200x64xf32, #tpu.memory_space<hbm>>
    %dma_wait3A_33 = arith.constant 0 : i32
    %dma_wait3A_34 = arith.constant 0 : i32
    %dma_wait3A_35 = tpu.memref_slice %arg5[%dma_wait3A_33, %dma_wait3A_34] : memref<819200x64xf32, #tpu.memory_space<hbm>> -> memref<200x64xf32, #tpu.memory_space<hbm>>
    tpu.wait_dma2 semaphore(%arg13 : memref<!tpu.dma_semaphore, #tpu.memory_space<semaphore_mem>>) src(%dma_wait3A_35 : memref<200x64xf32, #tpu.memory_space<hbm>>) dst(%arg8 : memref<200x64xf32, #tpu.memory_space<vmem>>)
    %dma_start3A_36 = arith.constant 600 : i32
    %dma_start3A_37 = tpu.memref_slice %arg6[%dma_start3A_36] : memref<25600xi32, #tpu.memory_space<vmem>> -> memref<200xi32, #tpu.memory_space<vmem>>
    %dma_start3A_38 = arith.constant 0 : i32
    %dma_start3A_39 = arith.constant 0 : i32
    %dma_start3A_40 = tpu.memref_slice %arg3[%dma_start3A_38, %dma_start3A_39] : memref<100000x64xf32, #tpu.memory_space<hbm>> -> memref<100000x64xf32, #tpu.memory_space<hbm>>
    tpu.enqueue_indirect_dma source(%dma_start3A_40 : memref<100000x64xf32, #tpu.memory_space<hbm>>) target(%arg10 : memref<200x64xf32, #tpu.memory_space<vmem>>) offsets(%dma_start3A_37 : memref<200xi32, #tpu.memory_space<vmem>>) semaphore(%arg15 : memref<!tpu.dma_semaphore, #tpu.memory_space<semaphore_mem>>)
    %parallel_loop3A_41 = arith.constant 0 : i32
    %parallel_loop3A_42 = arith.constant 200 : i32
    %parallel_loop3A_43 = arith.constant 1 : i32
    scf.for %parallel_loop3A_212 = %parallel_loop3A_41 to %parallel_loop3A_42 step %parallel_loop3A_43  : i32 {
      %parallel_loop3A_213 = arith.index_cast %parallel_loop3A_212 : i32 to index
      %parallel_loop3A_214 = arith.constant 0 : index
      %parallel_loop3A_215 = tpu.vector_load %arg11[%parallel_loop3A_213, %parallel_loop3A_214] {strides = array<i32>} : memref<200x64xf32, #tpu.memory_space<vmem>>, vector<1x16xf32>,
      %parallel_loop3A_216 = vector.shape_cast %parallel_loop3A_215 : vector<1x16xf32> to vector<16xf32>
      %parallel_loop3A_217 = arith.index_cast %parallel_loop3A_212 : i32 to index
      %parallel_loop3A_218 = arith.constant 0 : index
      %parallel_loop3A_219 = tpu.vector_load %arg8[%parallel_loop3A_217, %parallel_loop3A_218] {strides = array<i32>} : memref<200x64xf32, #tpu.memory_space<vmem>>, vector<1x16xf32>,
      %parallel_loop3A_220 = vector.shape_cast %parallel_loop3A_219 : vector<1x16xf32> to vector<16xf32>
      %parallel_loop3A_221 = vector.shape_cast %parallel_loop3A_216 : vector<16xf32> to vector<1x16xf32>
      tpu.vector_store %arg8[%parallel_loop3A_217, %parallel_loop3A_218], %parallel_loop3A_221 {add = true, strides = array<i32>} : memref<200x64xf32, #tpu.memory_space<vmem>>, vector<1x16xf32>,
      %parallel_loop3A_222 = arith.index_cast %parallel_loop3A_212 : i32 to index
      %parallel_loop3A_223 = arith.constant 16 : index
      %parallel_loop3A_224 = tpu.vector_load %arg11[%parallel_loop3A_222, %parallel_loop3A_223] {strides = array<i32>} : memref<200x64xf32, #tpu.memory_space<vmem>>, vector<1x16xf32>,
      %parallel_loop3A_225 = vector.shape_cast %parallel_loop3A_224 : vector<1x16xf32> to vector<16xf32>
      %parallel_loop3A_226 = arith.index_cast %parallel_loop3A_212 : i32 to index
      %parallel_loop3A_227 = arith.constant 16 : index
      %parallel_loop3A_228 = tpu.vector_load %arg8[%parallel_loop3A_226, %parallel_loop3A_227] {strides = array<i32>} : memref<200x64xf32, #tpu.memory_space<vmem>>, vector<1x16xf32>,
      %parallel_loop3A_229 = vector.shape_cast %parallel_loop3A_228 : vector<1x16xf32> to vector<16xf32>
      %parallel_loop3A_230 = vector.shape_cast %parallel_loop3A_225 : vector<16xf32> to vector<1x16xf32>
      tpu.vector_store %arg8[%parallel_loop3A_226, %parallel_loop3A_227], %parallel_loop3A_230 {add = true, strides = array<i32>} : memref<200x64xf32, #tpu.memory_space<vmem>>, vector<1x16xf32>,
      %parallel_loop3A_231 = arith.index_cast %parallel_loop3A_212 : i32 to index
      %parallel_loop3A_232 = arith.constant 32 : index
      %parallel_loop3A_233 = tpu.vector_load %arg11[%parallel_loop3A_231, %parallel_loop3A_232] {strides = array<i32>} : memref<200x64xf32, #tpu.memory_space<vmem>>, vector<1x16xf32>,
      %parallel_loop3A_234 = vector.shape_cast %parallel_loop3A_233 : vector<1x16xf32> to vector<16xf32>
      %parallel_loop3A_235 = arith.index_cast %parallel_loop3A_212 : i32 to index
      %parallel_loop3A_236 = arith.constant 32 : index
      %parallel_loop3A_237 = tpu.vector_load %arg8[%parallel_loop3A_235, %parallel_loop3A_236] {strides = array<i32>} : memref<200x64xf32, #tpu.memory_space<vmem>>, vector<1x16xf32>,
      %parallel_loop3A_238 = vector.shape_cast %parallel_loop3A_237 : vector<1x16xf32> to vector<16xf32>
      %parallel_loop3A_239 = vector.shape_cast %parallel_loop3A_234 : vector<16xf32> to vector<1x16xf32>
      tpu.vector_store %arg8[%parallel_loop3A_235, %parallel_loop3A_236], %parallel_loop3A_239 {add = true, strides = array<i32>} : memref<200x64xf32, #tpu.memory_space<vmem>>, vector<1x16xf32>,
      %parallel_loop3A_240 = arith.index_cast %parallel_loop3A_212 : i32 to index
      %parallel_loop3A_241 = arith.constant 48 : index
      %parallel_loop3A_242 = tpu.vector_load %arg11[%parallel_loop3A_240, %parallel_loop3A_241] {strides = array<i32>} : memref<200x64xf32, #tpu.memory_space<vmem>>, vector<1x16xf32>,
      %parallel_loop3A_243 = vector.shape_cast %parallel_loop3A_242 : vector<1x16xf32> to vector<16xf32>
      %parallel_loop3A_244 = arith.index_cast %parallel_loop3A_212 : i32 to index
      %parallel_loop3A_245 = arith.constant 48 : index
      %parallel_loop3A_246 = tpu.vector_load %arg8[%parallel_loop3A_244, %parallel_loop3A_245] {strides = array<i32>} : memref<200x64xf32, #tpu.memory_space<vmem>>, vector<1x16xf32>,
      %parallel_loop3A_247 = vector.shape_cast %parallel_loop3A_246 : vector<1x16xf32> to vector<16xf32>
      %parallel_loop3A_248 = vector.shape_cast %parallel_loop3A_243 : vector<16xf32> to vector<1x16xf32>
      tpu.vector_store %arg8[%parallel_loop3A_244, %parallel_loop3A_245], %parallel_loop3A_248 {add = true, strides = array<i32>} : memref<200x64xf32, #tpu.memory_space<vmem>>, vector<1x16xf32>,
    } {sc.loop_unroll_factor = 4 : i64, sc.parallel_access}
    %add3A_44 = arith.constant 200 : i32
    %add3A_45 = arith.addi %mul3A_2, %add3A_44 : i32
    %dma_start3A_46 = arith.constant 0 : i32
    %dma_start3A_47 = tpu.memref_slice %arg5[%add3A_45, %dma_start3A_46] : memref<819200x64xf32, #tpu.memory_space<hbm>> -> memref<200x64xf32, #tpu.memory_space<hbm>>
    %dma_start3A_48 = arith.constant 0 : i32
    %dma_start3A_49 = tpu.memref_slice %arg5[%add3A_45, %dma_start3A_48] : memref<819200x64xf32, #tpu.memory_space<hbm>> -> memref<200x64xf32, #tpu.memory_space<hbm>>
    tpu.enqueue_dma source(%arg8 : memref<200x64xf32, #tpu.memory_space<vmem>>) target(%dma_start3A_49 : memref<200x64xf32, #tpu.memory_space<hbm>>) target_semaphore(%arg17 : memref<!tpu.dma_semaphore, #tpu.memory_space<semaphore_mem>>)
    %dma_wait3A_50 = arith.constant 0 : i32
    %dma_wait3A_51 = arith.constant 0 : i32
    %dma_wait3A_52 = tpu.memref_slice %arg5[%dma_wait3A_50, %dma_wait3A_51] : memref<819200x64xf32, #tpu.memory_space<hbm>> -> memref<200x64xf32, #tpu.memory_space<hbm>>
    %dma_wait3A_53 = arith.constant 0 : i32
    %dma_wait3A_54 = arith.constant 0 : i32
    %dma_wait3A_55 = tpu.memref_slice %arg5[%dma_wait3A_53, %dma_wait3A_54] : memref<819200x64xf32, #tpu.memory_space<hbm>> -> memref<200x64xf32, #tpu.memory_space<hbm>>
    tpu.wait_dma2 semaphore(%arg14 : memref<!tpu.dma_semaphore, #tpu.memory_space<semaphore_mem>>) src(%dma_wait3A_55 : memref<200x64xf32, #tpu.memory_space<hbm>>) dst(%arg9 : memref<200x64xf32, #tpu.memory_space<vmem>>)
    %dma_wait3A_56 = arith.constant 0 : i32
    %dma_wait3A_57 = arith.constant 0 : i32
    %dma_wait3A_58 = tpu.memref_slice %arg5[%dma_wait3A_56, %dma_wait3A_57] : memref<819200x64xf32, #tpu.memory_space<hbm>> -> memref<200x64xf32, #tpu.memory_space<hbm>>
    %dma_wait3A_59 = arith.constant 0 : i32
    %dma_wait3A_60 = arith.constant 0 : i32
    %dma_wait3A_61 = tpu.memref_slice %arg5[%dma_wait3A_59, %dma_wait3A_60] : memref<819200x64xf32, #tpu.memory_space<hbm>> -> memref<200x64xf32, #tpu.memory_space<hbm>>
    tpu.wait_dma2 semaphore(%arg16 : memref<!tpu.dma_semaphore, #tpu.memory_space<semaphore_mem>>) src(%arg7 : memref<200x64xf32, #tpu.memory_space<vmem>>) dst(%dma_wait3A_61 : memref<200x64xf32, #tpu.memory_space<hbm>>)
    %dma_start3A_62 = arith.constant 800 : i32
    %dma_start3A_63 = tpu.memref_slice %arg6[%dma_start3A_62] : memref<25600xi32, #tpu.memory_space<vmem>> -> memref<200xi32, #tpu.memory_space<vmem>>
    %dma_start3A_64 = arith.constant 0 : i32
    %dma_start3A_65 = arith.constant 0 : i32
    %dma_start3A_66 = tpu.memref_slice %arg3[%dma_start3A_64, %dma_start3A_65] : memref<100000x64xf32, #tpu.memory_space<hbm>> -> memref<100000x64xf32, #tpu.memory_space<hbm>>
    tpu.enqueue_indirect_dma source(%dma_start3A_66 : memref<100000x64xf32, #tpu.memory_space<hbm>>) target(%arg7 : memref<200x64xf32, #tpu.memory_space<vmem>>) offsets(%dma_start3A_63 : memref<200xi32, #tpu.memory_space<vmem>>) semaphore(%arg12 : memref<!tpu.dma_semaphore, #tpu.memory_space<semaphore_mem>>)
    %parallel_loop3A_67 = arith.constant 0 : i32
    %parallel_loop3A_68 = arith.constant 200 : i32
    %parallel_loop3A_69 = arith.constant 1 : i32
    scf.for %parallel_loop3A_212 = %parallel_loop3A_67 to %parallel_loop3A_68 step %parallel_loop3A_69  : i32 {
      %parallel_loop3A_213 = arith.index_cast %parallel_loop3A_212 : i32 to index
      %parallel_loop3A_214 = arith.constant 0 : index
      %parallel_loop3A_215 = tpu.vector_load %arg11[%parallel_loop3A_213, %parallel_loop3A_214] {strides = array<i32>} : memref<200x64xf32, #tpu.memory_space<vmem>>, vector<1x16xf32>,
      %parallel_loop3A_216 = vector.shape_cast %parallel_loop3A_215 : vector<1x16xf32> to vector<16xf32>
      %parallel_loop3A_217 = arith.index_cast %parallel_loop3A_212 : i32 to index
      %parallel_loop3A_218 = arith.constant 0 : index
      %parallel_loop3A_219 = tpu.vector_load %arg9[%parallel_loop3A_217, %parallel_loop3A_218] {strides = array<i32>} : memref<200x64xf32, #tpu.memory_space<vmem>>, vector<1x16xf32>,
      %parallel_loop3A_220 = vector.shape_cast %parallel_loop3A_219 : vector<1x16xf32> to vector<16xf32>
      %parallel_loop3A_221 = vector.shape_cast %parallel_loop3A_216 : vector<16xf32> to vector<1x16xf32>
      tpu.vector_store %arg9[%parallel_loop3A_217, %parallel_loop3A_218], %parallel_loop3A_221 {add = true, strides = array<i32>} : memref<200x64xf32, #tpu.memory_space<vmem>>, vector<1x16xf32>,
      %parallel_loop3A_222 = arith.index_cast %parallel_loop3A_212 : i32 to index
      %parallel_loop3A_223 = arith.constant 16 : index
      %parallel_loop3A_224 = tpu.vector_load %arg11[%parallel_loop3A_222, %parallel_loop3A_223] {strides = array<i32>} : memref<200x64xf32, #tpu.memory_space<vmem>>, vector<1x16xf32>,
      %parallel_loop3A_225 = vector.shape_cast %parallel_loop3A_224 : vector<1x16xf32> to vector<16xf32>
      %parallel_loop3A_226 = arith.index_cast %parallel_loop3A_212 : i32 to index
      %parallel_loop3A_227 = arith.constant 16 : index
      %parallel_loop3A_228 = tpu.vector_load %arg9[%parallel_loop3A_226, %parallel_loop3A_227] {strides = array<i32>} : memref<200x64xf32, #tpu.memory_space<vmem>>, vector<1x16xf32>,
      %parallel_loop3A_229 = vector.shape_cast %parallel_loop3A_228 : vector<1x16xf32> to vector<16xf32>
      %parallel_loop3A_230 = vector.shape_cast %parallel_loop3A_225 : vector<16xf32> to vector<1x16xf32>
      tpu.vector_store %arg9[%parallel_loop3A_226, %parallel_loop3A_227], %parallel_loop3A_230 {add = true, strides = array<i32>} : memref<200x64xf32, #tpu.memory_space<vmem>>, vector<1x16xf32>,
      %parallel_loop3A_231 = arith.index_cast %parallel_loop3A_212 : i32 to index
      %parallel_loop3A_232 = arith.constant 32 : index
      %parallel_loop3A_233 = tpu.vector_load %arg11[%parallel_loop3A_231, %parallel_loop3A_232] {strides = array<i32>} : memref<200x64xf32, #tpu.memory_space<vmem>>, vector<1x16xf32>,
      %parallel_loop3A_234 = vector.shape_cast %parallel_loop3A_233 : vector<1x16xf32> to vector<16xf32>
      %parallel_loop3A_235 = arith.index_cast %parallel_loop3A_212 : i32 to index
      %parallel_loop3A_236 = arith.constant 32 : index
      %parallel_loop3A_237 = tpu.vector_load %arg9[%parallel_loop3A_235, %parallel_loop3A_236] {strides = array<i32>} : memref<200x64xf32, #tpu.memory_space<vmem>>, vector<1x16xf32>,
      %parallel_loop3A_238 = vector.shape_cast %parallel_loop3A_237 : vector<1x16xf32> to vector<16xf32>
      %parallel_loop3A_239 = vector.shape_cast %parallel_loop3A_234 : vector<16xf32> to vector<1x16xf32>
      tpu.vector_store %arg9[%parallel_loop3A_235, %parallel_loop3A_236], %parallel_loop3A_239 {add = true, strides = array<i32>} : memref<200x64xf32, #tpu.memory_space<vmem>>, vector<1x16xf32>,
      %parallel_loop3A_240 = arith.index_cast %parallel_loop3A_212 : i32 to index
      %parallel_loop3A_241 = arith.constant 48 : index
      %parallel_loop3A_242 = tpu.vector_load %arg11[%parallel_loop3A_240, %parallel_loop3A_241] {strides = array<i32>} : memref<200x64xf32, #tpu.memory_space<vmem>>, vector<1x16xf32>,
      %parallel_loop3A_243 = vector.shape_cast %parallel_loop3A_242 : vector<1x16xf32> to vector<16xf32>
      %parallel_loop3A_244 = arith.index_cast %parallel_loop3A_212 : i32 to index
      %parallel_loop3A_245 = arith.constant 48 : index
      %parallel_loop3A_246 = tpu.vector_load %arg9[%parallel_loop3A_244, %parallel_loop3A_245] {strides = array<i32>} : memref<200x64xf32, #tpu.memory_space<vmem>>, vector<1x16xf32>,
      %parallel_loop3A_247 = vector.shape_cast %parallel_loop3A_246 : vector<1x16xf32> to vector<16xf32>
      %parallel_loop3A_248 = vector.shape_cast %parallel_loop3A_243 : vector<16xf32> to vector<1x16xf32>
      tpu.vector_store %arg9[%parallel_loop3A_244, %parallel_loop3A_245], %parallel_loop3A_248 {add = true, strides = array<i32>} : memref<200x64xf32, #tpu.memory_space<vmem>>, vector<1x16xf32>,
    } {sc.loop_unroll_factor = 4 : i64, sc.parallel_access}
    %add3A_70 = arith.constant 400 : i32
    %add3A_71 = arith.addi %mul3A_2, %add3A_70 : i32
    %dma_start3A_72 = arith.constant 0 : i32
    %dma_start3A_73 = tpu.memref_slice %arg5[%add3A_71, %dma_start3A_72] : memref<819200x64xf32, #tpu.memory_space<hbm>> -> memref<200x64xf32, #tpu.memory_space<hbm>>
    %dma_start3A_74 = arith.constant 0 : i32
    %dma_start3A_75 = tpu.memref_slice %arg5[%add3A_71, %dma_start3A_74] : memref<819200x64xf32, #tpu.memory_space<hbm>> -> memref<200x64xf32, #tpu.memory_space<hbm>>
    tpu.enqueue_dma source(%arg9 : memref<200x64xf32, #tpu.memory_space<vmem>>) target(%dma_start3A_75 : memref<200x64xf32, #tpu.memory_space<hbm>>) target_semaphore(%arg18 : memref<!tpu.dma_semaphore, #tpu.memory_space<semaphore_mem>>)
    %dma_wait3A_76 = arith.constant 0 : i32
    %dma_wait3A_77 = arith.constant 0 : i32
    %dma_wait3A_78 = tpu.memref_slice %arg5[%dma_wait3A_76, %dma_wait3A_77] : memref<819200x64xf32, #tpu.memory_space<hbm>> -> memref<200x64xf32, #tpu.memory_space<hbm>>
    %dma_wait3A_79 = arith.constant 0 : i32
    %dma_wait3A_80 = arith.constant 0 : i32
    %dma_wait3A_81 = tpu.memref_slice %arg5[%dma_wait3A_79, %dma_wait3A_80] : memref<819200x64xf32, #tpu.memory_space<hbm>> -> memref<200x64xf32, #tpu.memory_space<hbm>>
    tpu.wait_dma2 semaphore(%arg15 : memref<!tpu.dma_semaphore, #tpu.memory_space<semaphore_mem>>) src(%dma_wait3A_81 : memref<200x64xf32, #tpu.memory_space<hbm>>) dst(%arg10 : memref<200x64xf32, #tpu.memory_space<vmem>>)
    %dma_wait3A_82 = arith.constant 0 : i32
    %dma_wait3A_83 = arith.constant 0 : i32
    %dma_wait3A_84 = tpu.memref_slice %arg5[%dma_wait3A_82, %dma_wait3A_83] : memref<819200x64xf32, #tpu.memory_space<hbm>> -> memref<200x64xf32, #tpu.memory_space<hbm>>
    %dma_wait3A_85 = arith.constant 0 : i32
    %dma_wait3A_86 = arith.constant 0 : i32
    %dma_wait3A_87 = tpu.memref_slice %arg5[%dma_wait3A_85, %dma_wait3A_86] : memref<819200x64xf32, #tpu.memory_space<hbm>> -> memref<200x64xf32, #tpu.memory_space<hbm>>
    tpu.wait_dma2 semaphore(%arg17 : memref<!tpu.dma_semaphore, #tpu.memory_space<semaphore_mem>>) src(%arg8 : memref<200x64xf32, #tpu.memory_space<vmem>>) dst(%dma_wait3A_87 : memref<200x64xf32, #tpu.memory_space<hbm>>)
    %dma_start3A_88 = arith.constant 1000 : i32
    %dma_start3A_89 = tpu.memref_slice %arg6[%dma_start3A_88] : memref<25600xi32, #tpu.memory_space<vmem>> -> memref<200xi32, #tpu.memory_space<vmem>>
    %dma_start3A_90 = arith.constant 0 : i32
    %dma_start3A_91 = arith.constant 0 : i32
    %dma_start3A_92 = tpu.memref_slice %arg3[%dma_start3A_90, %dma_start3A_91] : memref<100000x64xf32, #tpu.memory_space<hbm>> -> memref<100000x64xf32, #tpu.memory_space<hbm>>
    tpu.enqueue_indirect_dma source(%dma_start3A_92 : memref<100000x64xf32, #tpu.memory_space<hbm>>) target(%arg8 : memref<200x64xf32, #tpu.memory_space<vmem>>) offsets(%dma_start3A_89 : memref<200xi32, #tpu.memory_space<vmem>>) semaphore(%arg13 : memref<!tpu.dma_semaphore, #tpu.memory_space<semaphore_mem>>)
    %parallel_loop3A_93 = arith.constant 0 : i32
    %parallel_loop3A_94 = arith.constant 200 : i32
    %parallel_loop3A_95 = arith.constant 1 : i32
    scf.for %parallel_loop3A_212 = %parallel_loop3A_93 to %parallel_loop3A_94 step %parallel_loop3A_95  : i32 {
      %parallel_loop3A_213 = arith.index_cast %parallel_loop3A_212 : i32 to index
      %parallel_loop3A_214 = arith.constant 0 : index
      %parallel_loop3A_215 = tpu.vector_load %arg11[%parallel_loop3A_213, %parallel_loop3A_214] {strides = array<i32>} : memref<200x64xf32, #tpu.memory_space<vmem>>, vector<1x16xf32>,
      %parallel_loop3A_216 = vector.shape_cast %parallel_loop3A_215 : vector<1x16xf32> to vector<16xf32>
      %parallel_loop3A_217 = arith.index_cast %parallel_loop3A_212 : i32 to index
      %parallel_loop3A_218 = arith.constant 0 : index
      %parallel_loop3A_219 = tpu.vector_load %arg10[%parallel_loop3A_217, %parallel_loop3A_218] {strides = array<i32>} : memref<200x64xf32, #tpu.memory_space<vmem>>, vector<1x16xf32>,
      %parallel_loop3A_220 = vector.shape_cast %parallel_loop3A_219 : vector<1x16xf32> to vector<16xf32>
      %parallel_loop3A_221 = vector.shape_cast %parallel_loop3A_216 : vector<16xf32> to vector<1x16xf32>
      tpu.vector_store %arg10[%parallel_loop3A_217, %parallel_loop3A_218], %parallel_loop3A_221 {add = true, strides = array<i32>} : memref<200x64xf32, #tpu.memory_space<vmem>>, vector<1x16xf32>,
      %parallel_loop3A_222 = arith.index_cast %parallel_loop3A_212 : i32 to index
      %parallel_loop3A_223 = arith.constant 16 : index
      %parallel_loop3A_224 = tpu.vector_load %arg11[%parallel_loop3A_222, %parallel_loop3A_223] {strides = array<i32>} : memref<200x64xf32, #tpu.memory_space<vmem>>, vector<1x16xf32>,
      %parallel_loop3A_225 = vector.shape_cast %parallel_loop3A_224 : vector<1x16xf32> to vector<16xf32>
      %parallel_loop3A_226 = arith.index_cast %parallel_loop3A_212 : i32 to index
      %parallel_loop3A_227 = arith.constant 16 : index
      %parallel_loop3A_228 = tpu.vector_load %arg10[%parallel_loop3A_226, %parallel_loop3A_227] {strides = array<i32>} : memref<200x64xf32, #tpu.memory_space<vmem>>, vector<1x16xf32>,
      %parallel_loop3A_229 = vector.shape_cast %parallel_loop3A_228 : vector<1x16xf32> to vector<16xf32>
      %parallel_loop3A_230 = vector.shape_cast %parallel_loop3A_225 : vector<16xf32> to vector<1x16xf32>
      tpu.vector_store %arg10[%parallel_loop3A_226, %parallel_loop3A_227], %parallel_loop3A_230 {add = true, strides = array<i32>} : memref<200x64xf32, #tpu.memory_space<vmem>>, vector<1x16xf32>,
      %parallel_loop3A_231 = arith.index_cast %parallel_loop3A_212 : i32 to index
      %parallel_loop3A_232 = arith.constant 32 : index
      %parallel_loop3A_233 = tpu.vector_load %arg11[%parallel_loop3A_231, %parallel_loop3A_232] {strides = array<i32>} : memref<200x64xf32, #tpu.memory_space<vmem>>, vector<1x16xf32>,
      %parallel_loop3A_234 = vector.shape_cast %parallel_loop3A_233 : vector<1x16xf32> to vector<16xf32>
      %parallel_loop3A_235 = arith.index_cast %parallel_loop3A_212 : i32 to index
      %parallel_loop3A_236 = arith.constant 32 : index
      %parallel_loop3A_237 = tpu.vector_load %arg10[%parallel_loop3A_235, %parallel_loop3A_236] {strides = array<i32>} : memref<200x64xf32, #tpu.memory_space<vmem>>, vector<1x16xf32>,
      %parallel_loop3A_238 = vector.shape_cast %parallel_loop3A_237 : vector<1x16xf32> to vector<16xf32>
      %parallel_loop3A_239 = vector.shape_cast %parallel_loop3A_234 : vector<16xf32> to vector<1x16xf32>
      tpu.vector_store %arg10[%parallel_loop3A_235, %parallel_loop3A_236], %parallel_loop3A_239 {add = true, strides = array<i32>} : memref<200x64xf32, #tpu.memory_space<vmem>>, vector<1x16xf32>,
      %parallel_loop3A_240 = arith.index_cast %parallel_loop3A_212 : i32 to index
      %parallel_loop3A_241 = arith.constant 48 : index
      %parallel_loop3A_242 = tpu.vector_load %arg11[%parallel_loop3A_240, %parallel_loop3A_241] {strides = array<i32>} : memref<200x64xf32, #tpu.memory_space<vmem>>, vector<1x16xf32>,
      %parallel_loop3A_243 = vector.shape_cast %parallel_loop3A_242 : vector<1x16xf32> to vector<16xf32>
      %parallel_loop3A_244 = arith.index_cast %parallel_loop3A_212 : i32 to index
      %parallel_loop3A_245 = arith.constant 48 : index
      %parallel_loop3A_246 = tpu.vector_load %arg10[%parallel_loop3A_244, %parallel_loop3A_245] {strides = array<i32>} : memref<200x64xf32, #tpu.memory_space<vmem>>, vector<1x16xf32>,
      %parallel_loop3A_247 = vector.shape_cast %parallel_loop3A_246 : vector<1x16xf32> to vector<16xf32>
      %parallel_loop3A_248 = vector.shape_cast %parallel_loop3A_243 : vector<16xf32> to vector<1x16xf32>
      tpu.vector_store %arg10[%parallel_loop3A_244, %parallel_loop3A_245], %parallel_loop3A_248 {add = true, strides = array<i32>} : memref<200x64xf32, #tpu.memory_space<vmem>>, vector<1x16xf32>,
    } {sc.loop_unroll_factor = 4 : i64, sc.parallel_access}
    %add3A_96 = arith.constant 600 : i32
    %add3A_97 = arith.addi %mul3A_2, %add3A_96 : i32
    %dma_start3A_98 = arith.constant 0 : i32
    %dma_start3A_99 = tpu.memref_slice %arg5[%add3A_97, %dma_start3A_98] : memref<819200x64xf32, #tpu.memory_space<hbm>> -> memref<200x64xf32, #tpu.memory_space<hbm>>
    %dma_start3A_100 = arith.constant 0 : i32
    %dma_start3A_101 = tpu.memref_slice %arg5[%add3A_97, %dma_start3A_100] : memref<819200x64xf32, #tpu.memory_space<hbm>> -> memref<200x64xf32, #tpu.memory_space<hbm>>
    tpu.enqueue_dma source(%arg10 : memref<200x64xf32, #tpu.memory_space<vmem>>) target(%dma_start3A_101 : memref<200x64xf32, #tpu.memory_space<hbm>>) target_semaphore(%arg19 : memref<!tpu.dma_semaphore, #tpu.memory_space<semaphore_mem>>)
    %scan3A = arith.constant 0 : i32
    %scan3A_102 = arith.constant 30 : i32
    %scan3A_103 = arith.addi %scan3A, %scan3A_102 : i32
    %scan3A_104 = arith.constant 1 : i32
    scf.for %scan3A_212 = %scan3A to %scan3A_103 step %scan3A_104  : i32 {
      %mul3A_213 = arith.constant 4 : i32
      %mul3A_214 = arith.muli %scan3A_212, %mul3A_213 : i32
      %add3A_215 = arith.constant 4 : i32
      %add3A_216 = arith.addi %add3A_215, %mul3A_214 : i32
      %add3A_217 = arith.constant 0 : i32
      %add3A_218 = arith.addi %add3A_216, %add3A_217 : i32
      %dma_wait3A_219 = arith.constant 0 : i32
      %dma_wait3A_220 = arith.constant 0 : i32
      %dma_wait3A_221 = tpu.memref_slice %arg5[%dma_wait3A_219, %dma_wait3A_220] : memref<819200x64xf32, #tpu.memory_space<hbm>> -> memref<200x64xf32, #tpu.memory_space<hbm>>
      %dma_wait3A_222 = arith.constant 0 : i32
      %dma_wait3A_223 = arith.constant 0 : i32
      %dma_wait3A_224 = tpu.memref_slice %arg5[%dma_wait3A_222, %dma_wait3A_223] : memref<819200x64xf32, #tpu.memory_space<hbm>> -> memref<200x64xf32, #tpu.memory_space<hbm>>
      tpu.wait_dma2 semaphore(%arg12 : memref<!tpu.dma_semaphore, #tpu.memory_space<semaphore_mem>>) src(%dma_wait3A_224 : memref<200x64xf32, #tpu.memory_space<hbm>>) dst(%arg7 : memref<200x64xf32, #tpu.memory_space<vmem>>)
      %dma_wait3A_225 = arith.constant 0 : i32
      %dma_wait3A_226 = arith.constant 0 : i32
      %dma_wait3A_227 = tpu.memref_slice %arg5[%dma_wait3A_225, %dma_wait3A_226] : memref<819200x64xf32, #tpu.memory_space<hbm>> -> memref<200x64xf32, #tpu.memory_space<hbm>>
      %dma_wait3A_228 = arith.constant 0 : i32
      %dma_wait3A_229 = arith.constant 0 : i32
      %dma_wait3A_230 = tpu.memref_slice %arg5[%dma_wait3A_228, %dma_wait3A_229] : memref<819200x64xf32, #tpu.memory_space<hbm>> -> memref<200x64xf32, #tpu.memory_space<hbm>>
      tpu.wait_dma2 semaphore(%arg18 : memref<!tpu.dma_semaphore, #tpu.memory_space<semaphore_mem>>) src(%arg9 : memref<200x64xf32, #tpu.memory_space<vmem>>) dst(%dma_wait3A_230 : memref<200x64xf32, #tpu.memory_space<hbm>>)
      %add3A_231 = arith.constant 2 : i32
      %add3A_232 = arith.addi %add3A_218, %add3A_231 : i32
      %mul3A_233 = arith.constant 200 : i32
      %mul3A_234 = arith.muli %add3A_232, %mul3A_233 : i32
      %dma_start3A_235 = tpu.memref_slice %arg6[%mul3A_234] : memref<25600xi32, #tpu.memory_space<vmem>> -> memref<200xi32, #tpu.memory_space<vmem>>
      %dma_start3A_236 = arith.constant 0 : i32
      %dma_start3A_237 = arith.constant 0 : i32
      %dma_start3A_238 = tpu.memref_slice %arg3[%dma_start3A_236, %dma_start3A_237] : memref<100000x64xf32, #tpu.memory_space<hbm>> -> memref<100000x64xf32, #tpu.memory_space<hbm>>
      tpu.enqueue_indirect_dma source(%dma_start3A_238 : memref<100000x64xf32, #tpu.memory_space<hbm>>) target(%arg9 : memref<200x64xf32, #tpu.memory_space<vmem>>) offsets(%dma_start3A_235 : memref<200xi32, #tpu.memory_space<vmem>>) semaphore(%arg14 : memref<!tpu.dma_semaphore, #tpu.memory_space<semaphore_mem>>)
      %parallel_loop3A_239 = arith.constant 0 : i32
      %parallel_loop3A_240 = arith.constant 200 : i32
      %parallel_loop3A_241 = arith.constant 1 : i32
      scf.for %parallel_loop3A_345 = %parallel_loop3A_239 to %parallel_loop3A_240 step %parallel_loop3A_241  : i32 {
        %parallel_loop3A_346 = arith.index_cast %parallel_loop3A_345 : i32 to index
        %parallel_loop3A_347 = arith.constant 0 : index
        %parallel_loop3A_348 = tpu.vector_load %arg11[%parallel_loop3A_346, %parallel_loop3A_347] {strides = array<i32>} : memref<200x64xf32, #tpu.memory_space<vmem>>, vector<1x16xf32>,
        %parallel_loop3A_349 = vector.shape_cast %parallel_loop3A_348 : vector<1x16xf32> to vector<16xf32>
        %parallel_loop3A_350 = arith.index_cast %parallel_loop3A_345 : i32 to index
        %parallel_loop3A_351 = arith.constant 0 : index
        %parallel_loop3A_352 = tpu.vector_load %arg7[%parallel_loop3A_350, %parallel_loop3A_351] {strides = array<i32>} : memref<200x64xf32, #tpu.memory_space<vmem>>, vector<1x16xf32>,
        %parallel_loop3A_353 = vector.shape_cast %parallel_loop3A_352 : vector<1x16xf32> to vector<16xf32>
        %parallel_loop3A_354 = vector.shape_cast %parallel_loop3A_349 : vector<16xf32> to vector<1x16xf32>
        tpu.vector_store %arg7[%parallel_loop3A_350, %parallel_loop3A_351], %parallel_loop3A_354 {add = true, strides = array<i32>} : memref<200x64xf32, #tpu.memory_space<vmem>>, vector<1x16xf32>,
        %parallel_loop3A_355 = arith.index_cast %parallel_loop3A_345 : i32 to index
        %parallel_loop3A_356 = arith.constant 16 : index
        %parallel_loop3A_357 = tpu.vector_load %arg11[%parallel_loop3A_355, %parallel_loop3A_356] {strides = array<i32>} : memref<200x64xf32, #tpu.memory_space<vmem>>, vector<1x16xf32>,
        %parallel_loop3A_358 = vector.shape_cast %parallel_loop3A_357 : vector<1x16xf32> to vector<16xf32>
        %parallel_loop3A_359 = arith.index_cast %parallel_loop3A_345 : i32 to index
        %parallel_loop3A_360 = arith.constant 16 : index
        %parallel_loop3A_361 = tpu.vector_load %arg7[%parallel_loop3A_359, %parallel_loop3A_360] {strides = array<i32>} : memref<200x64xf32, #tpu.memory_space<vmem>>, vector<1x16xf32>,
        %parallel_loop3A_362 = vector.shape_cast %parallel_loop3A_361 : vector<1x16xf32> to vector<16xf32>
        %parallel_loop3A_363 = vector.shape_cast %parallel_loop3A_358 : vector<16xf32> to vector<1x16xf32>
        tpu.vector_store %arg7[%parallel_loop3A_359, %parallel_loop3A_360], %parallel_loop3A_363 {add = true, strides = array<i32>} : memref<200x64xf32, #tpu.memory_space<vmem>>, vector<1x16xf32>,
        %parallel_loop3A_364 = arith.index_cast %parallel_loop3A_345 : i32 to index
        %parallel_loop3A_365 = arith.constant 32 : index
        %parallel_loop3A_366 = tpu.vector_load %arg11[%parallel_loop3A_364, %parallel_loop3A_365] {strides = array<i32>} : memref<200x64xf32, #tpu.memory_space<vmem>>, vector<1x16xf32>,
        %parallel_loop3A_367 = vector.shape_cast %parallel_loop3A_366 : vector<1x16xf32> to vector<16xf32>
        %parallel_loop3A_368 = arith.index_cast %parallel_loop3A_345 : i32 to index
        %parallel_loop3A_369 = arith.constant 32 : index
        %parallel_loop3A_370 = tpu.vector_load %arg7[%parallel_loop3A_368, %parallel_loop3A_369] {strides = array<i32>} : memref<200x64xf32, #tpu.memory_space<vmem>>, vector<1x16xf32>,
        %parallel_loop3A_371 = vector.shape_cast %parallel_loop3A_370 : vector<1x16xf32> to vector<16xf32>
        %parallel_loop3A_372 = vector.shape_cast %parallel_loop3A_367 : vector<16xf32> to vector<1x16xf32>
        tpu.vector_store %arg7[%parallel_loop3A_368, %parallel_loop3A_369], %parallel_loop3A_372 {add = true, strides = array<i32>} : memref<200x64xf32, #tpu.memory_space<vmem>>, vector<1x16xf32>,
        %parallel_loop3A_373 = arith.index_cast %parallel_loop3A_345 : i32 to index
        %parallel_loop3A_374 = arith.constant 48 : index
        %parallel_loop3A_375 = tpu.vector_load %arg11[%parallel_loop3A_373, %parallel_loop3A_374] {strides = array<i32>} : memref<200x64xf32, #tpu.memory_space<vmem>>, vector<1x16xf32>,
        %parallel_loop3A_376 = vector.shape_cast %parallel_loop3A_375 : vector<1x16xf32> to vector<16xf32>
        %parallel_loop3A_377 = arith.index_cast %parallel_loop3A_345 : i32 to index
        %parallel_loop3A_378 = arith.constant 48 : index
        %parallel_loop3A_379 = tpu.vector_load %arg7[%parallel_loop3A_377, %parallel_loop3A_378] {strides = array<i32>} : memref<200x64xf32, #tpu.memory_space<vmem>>, vector<1x16xf32>,
        %parallel_loop3A_380 = vector.shape_cast %parallel_loop3A_379 : vector<1x16xf32> to vector<16xf32>
        %parallel_loop3A_381 = vector.shape_cast %parallel_loop3A_376 : vector<16xf32> to vector<1x16xf32>
        tpu.vector_store %arg7[%parallel_loop3A_377, %parallel_loop3A_378], %parallel_loop3A_381 {add = true, strides = array<i32>} : memref<200x64xf32, #tpu.memory_space<vmem>>, vector<1x16xf32>,
      } {sc.loop_unroll_factor = 4 : i64, sc.parallel_access}
      %mul3A_242 = arith.constant 200 : i32
      %mul3A_243 = arith.muli %add3A_218, %mul3A_242 : i32
      %add3A_244 = arith.addi %mul3A_2, %mul3A_243 : i32
      %dma_start3A_245 = arith.constant 0 : i32
      %dma_start3A_246 = tpu.memref_slice %arg5[%add3A_244, %dma_start3A_245] : memref<819200x64xf32, #tpu.memory_space<hbm>> -> memref<200x64xf32, #tpu.memory_space<hbm>>
      %dma_start3A_247 = arith.constant 0 : i32
      %dma_start3A_248 = tpu.memref_slice %arg5[%add3A_244, %dma_start3A_247] : memref<819200x64xf32, #tpu.memory_space<hbm>> -> memref<200x64xf32, #tpu.memory_space<hbm>>
      tpu.enqueue_dma source(%arg7 : memref<200x64xf32, #tpu.memory_space<vmem>>) target(%dma_start3A_248 : memref<200x64xf32, #tpu.memory_space<hbm>>) target_semaphore(%arg16 : memref<!tpu.dma_semaphore, #tpu.memory_space<semaphore_mem>>)
      %add3A_249 = arith.constant 1 : i32
      %add3A_250 = arith.addi %add3A_216, %add3A_249 : i32
      %dma_wait3A_251 = arith.constant 0 : i32
      %dma_wait3A_252 = arith.constant 0 : i32
      %dma_wait3A_253 = tpu.memref_slice %arg5[%dma_wait3A_251, %dma_wait3A_252] : memref<819200x64xf32, #tpu.memory_space<hbm>> -> memref<200x64xf32, #tpu.memory_space<hbm>>
      %dma_wait3A_254 = arith.constant 0 : i32
      %dma_wait3A_255 = arith.constant 0 : i32
      %dma_wait3A_256 = tpu.memref_slice %arg5[%dma_wait3A_254, %dma_wait3A_255] : memref<819200x64xf32, #tpu.memory_space<hbm>> -> memref<200x64xf32, #tpu.memory_space<hbm>>
      tpu.wait_dma2 semaphore(%arg13 : memref<!tpu.dma_semaphore, #tpu.memory_space<semaphore_mem>>) src(%dma_wait3A_256 : memref<200x64xf32, #tpu.memory_space<hbm>>) dst(%arg8 : memref<200x64xf32, #tpu.memory_space<vmem>>)
      %dma_wait3A_257 = arith.constant 0 : i32
      %dma_wait3A_258 = arith.constant 0 : i32
      %dma_wait3A_259 = tpu.memref_slice %arg5[%dma_wait3A_257, %dma_wait3A_258] : memref<819200x64xf32, #tpu.memory_space<hbm>> -> memref<200x64xf32, #tpu.memory_space<hbm>>
      %dma_wait3A_260 = arith.constant 0 : i32
      %dma_wait3A_261 = arith.constant 0 : i32
      %dma_wait3A_262 = tpu.memref_slice %arg5[%dma_wait3A_260, %dma_wait3A_261] : memref<819200x64xf32, #tpu.memory_space<hbm>> -> memref<200x64xf32, #tpu.memory_space<hbm>>
      tpu.wait_dma2 semaphore(%arg19 : memref<!tpu.dma_semaphore, #tpu.memory_space<semaphore_mem>>) src(%arg10 : memref<200x64xf32, #tpu.memory_space<vmem>>) dst(%dma_wait3A_262 : memref<200x64xf32, #tpu.memory_space<hbm>>)
      %add3A_263 = arith.constant 2 : i32
      %add3A_264 = arith.addi %add3A_250, %add3A_263 : i32
      %mul3A_265 = arith.constant 200 : i32
      %mul3A_266 = arith.muli %add3A_264, %mul3A_265 : i32
      %dma_start3A_267 = tpu.memref_slice %arg6[%mul3A_266] : memref<25600xi32, #tpu.memory_space<vmem>> -> memref<200xi32, #tpu.memory_space<vmem>>
      %dma_start3A_268 = arith.constant 0 : i32
      %dma_start3A_269 = arith.constant 0 : i32
      %dma_start3A_270 = tpu.memref_slice %arg3[%dma_start3A_268, %dma_start3A_269] : memref<100000x64xf32, #tpu.memory_space<hbm>> -> memref<100000x64xf32, #tpu.memory_space<hbm>>
      tpu.enqueue_indirect_dma source(%dma_start3A_270 : memref<100000x64xf32, #tpu.memory_space<hbm>>) target(%arg10 : memref<200x64xf32, #tpu.memory_space<vmem>>) offsets(%dma_start3A_267 : memref<200xi32, #tpu.memory_space<vmem>>) semaphore(%arg15 : memref<!tpu.dma_semaphore, #tpu.memory_space<semaphore_mem>>)
      %parallel_loop3A_271 = arith.constant 0 : i32
      %parallel_loop3A_272 = arith.constant 200 : i32
      %parallel_loop3A_273 = arith.constant 1 : i32
      scf.for %parallel_loop3A_345 = %parallel_loop3A_271 to %parallel_loop3A_272 step %parallel_loop3A_273  : i32 {
        %parallel_loop3A_346 = arith.index_cast %parallel_loop3A_345 : i32 to index
        %parallel_loop3A_347 = arith.constant 0 : index
        %parallel_loop3A_348 = tpu.vector_load %arg11[%parallel_loop3A_346, %parallel_loop3A_347] {strides = array<i32>} : memref<200x64xf32, #tpu.memory_space<vmem>>, vector<1x16xf32>,
        %parallel_loop3A_349 = vector.shape_cast %parallel_loop3A_348 : vector<1x16xf32> to vector<16xf32>
        %parallel_loop3A_350 = arith.index_cast %parallel_loop3A_345 : i32 to index
        %parallel_loop3A_351 = arith.constant 0 : index
        %parallel_loop3A_352 = tpu.vector_load %arg8[%parallel_loop3A_350, %parallel_loop3A_351] {strides = array<i32>} : memref<200x64xf32, #tpu.memory_space<vmem>>, vector<1x16xf32>,
        %parallel_loop3A_353 = vector.shape_cast %parallel_loop3A_352 : vector<1x16xf32> to vector<16xf32>
        %parallel_loop3A_354 = vector.shape_cast %parallel_loop3A_349 : vector<16xf32> to vector<1x16xf32>
        tpu.vector_store %arg8[%parallel_loop3A_350, %parallel_loop3A_351], %parallel_loop3A_354 {add = true, strides = array<i32>} : memref<200x64xf32, #tpu.memory_space<vmem>>, vector<1x16xf32>,
        %parallel_loop3A_355 = arith.index_cast %parallel_loop3A_345 : i32 to index
        %parallel_loop3A_356 = arith.constant 16 : index
        %parallel_loop3A_357 = tpu.vector_load %arg11[%parallel_loop3A_355, %parallel_loop3A_356] {strides = array<i32>} : memref<200x64xf32, #tpu.memory_space<vmem>>, vector<1x16xf32>,
        %parallel_loop3A_358 = vector.shape_cast %parallel_loop3A_357 : vector<1x16xf32> to vector<16xf32>
        %parallel_loop3A_359 = arith.index_cast %parallel_loop3A_345 : i32 to index
        %parallel_loop3A_360 = arith.constant 16 : index
        %parallel_loop3A_361 = tpu.vector_load %arg8[%parallel_loop3A_359, %parallel_loop3A_360] {strides = array<i32>} : memref<200x64xf32, #tpu.memory_space<vmem>>, vector<1x16xf32>,
        %parallel_loop3A_362 = vector.shape_cast %parallel_loop3A_361 : vector<1x16xf32> to vector<16xf32>
        %parallel_loop3A_363 = vector.shape_cast %parallel_loop3A_358 : vector<16xf32> to vector<1x16xf32>
        tpu.vector_store %arg8[%parallel_loop3A_359, %parallel_loop3A_360], %parallel_loop3A_363 {add = true, strides = array<i32>} : memref<200x64xf32, #tpu.memory_space<vmem>>, vector<1x16xf32>,
        %parallel_loop3A_364 = arith.index_cast %parallel_loop3A_345 : i32 to index
        %parallel_loop3A_365 = arith.constant 32 : index
        %parallel_loop3A_366 = tpu.vector_load %arg11[%parallel_loop3A_364, %parallel_loop3A_365] {strides = array<i32>} : memref<200x64xf32, #tpu.memory_space<vmem>>, vector<1x16xf32>,
        %parallel_loop3A_367 = vector.shape_cast %parallel_loop3A_366 : vector<1x16xf32> to vector<16xf32>
        %parallel_loop3A_368 = arith.index_cast %parallel_loop3A_345 : i32 to index
        %parallel_loop3A_369 = arith.constant 32 : index
        %parallel_loop3A_370 = tpu.vector_load %arg8[%parallel_loop3A_368, %parallel_loop3A_369] {strides = array<i32>} : memref<200x64xf32, #tpu.memory_space<vmem>>, vector<1x16xf32>,
        %parallel_loop3A_371 = vector.shape_cast %parallel_loop3A_370 : vector<1x16xf32> to vector<16xf32>
        %parallel_loop3A_372 = vector.shape_cast %parallel_loop3A_367 : vector<16xf32> to vector<1x16xf32>
        tpu.vector_store %arg8[%parallel_loop3A_368, %parallel_loop3A_369], %parallel_loop3A_372 {add = true, strides = array<i32>} : memref<200x64xf32, #tpu.memory_space<vmem>>, vector<1x16xf32>,
        %parallel_loop3A_373 = arith.index_cast %parallel_loop3A_345 : i32 to index
        %parallel_loop3A_374 = arith.constant 48 : index
        %parallel_loop3A_375 = tpu.vector_load %arg11[%parallel_loop3A_373, %parallel_loop3A_374] {strides = array<i32>} : memref<200x64xf32, #tpu.memory_space<vmem>>, vector<1x16xf32>,
        %parallel_loop3A_376 = vector.shape_cast %parallel_loop3A_375 : vector<1x16xf32> to vector<16xf32>
        %parallel_loop3A_377 = arith.index_cast %parallel_loop3A_345 : i32 to index
        %parallel_loop3A_378 = arith.constant 48 : index
        %parallel_loop3A_379 = tpu.vector_load %arg8[%parallel_loop3A_377, %parallel_loop3A_378] {strides = array<i32>} : memref<200x64xf32, #tpu.memory_space<vmem>>, vector<1x16xf32>,
        %parallel_loop3A_380 = vector.shape_cast %parallel_loop3A_379 : vector<1x16xf32> to vector<16xf32>
        %parallel_loop3A_381 = vector.shape_cast %parallel_loop3A_376 : vector<16xf32> to vector<1x16xf32>
        tpu.vector_store %arg8[%parallel_loop3A_377, %parallel_loop3A_378], %parallel_loop3A_381 {add = true, strides = array<i32>} : memref<200x64xf32, #tpu.memory_space<vmem>>, vector<1x16xf32>,
      } {sc.loop_unroll_factor = 4 : i64, sc.parallel_access}
      %mul3A_274 = arith.constant 200 : i32
      %mul3A_275 = arith.muli %add3A_250, %mul3A_274 : i32
      %add3A_276 = arith.addi %mul3A_2, %mul3A_275 : i32
      %dma_start3A_277 = arith.constant 0 : i32
      %dma_start3A_278 = tpu.memref_slice %arg5[%add3A_276, %dma_start3A_277] : memref<819200x64xf32, #tpu.memory_space<hbm>> -> memref<200x64xf32, #tpu.memory_space<hbm>>
      %dma_start3A_279 = arith.constant 0 : i32
      %dma_start3A_280 = tpu.memref_slice %arg5[%add3A_276, %dma_start3A_279] : memref<819200x64xf32, #tpu.memory_space<hbm>> -> memref<200x64xf32, #tpu.memory_space<hbm>>
      tpu.enqueue_dma source(%arg8 : memref<200x64xf32, #tpu.memory_space<vmem>>) target(%dma_start3A_280 : memref<200x64xf32, #tpu.memory_space<hbm>>) target_semaphore(%arg17 : memref<!tpu.dma_semaphore, #tpu.memory_space<semaphore_mem>>)
      %add3A_281 = arith.constant 2 : i32
      %add3A_282 = arith.addi %add3A_216, %add3A_281 : i32
      %dma_wait3A_283 = arith.constant 0 : i32
      %dma_wait3A_284 = arith.constant 0 : i32
      %dma_wait3A_285 = tpu.memref_slice %arg5[%dma_wait3A_283, %dma_wait3A_284] : memref<819200x64xf32, #tpu.memory_space<hbm>> -> memref<200x64xf32, #tpu.memory_space<hbm>>
      %dma_wait3A_286 = arith.constant 0 : i32
      %dma_wait3A_287 = arith.constant 0 : i32
      %dma_wait3A_288 = tpu.memref_slice %arg5[%dma_wait3A_286, %dma_wait3A_287] : memref<819200x64xf32, #tpu.memory_space<hbm>> -> memref<200x64xf32, #tpu.memory_space<hbm>>
      tpu.wait_dma2 semaphore(%arg14 : memref<!tpu.dma_semaphore, #tpu.memory_space<semaphore_mem>>) src(%dma_wait3A_288 : memref<200x64xf32, #tpu.memory_space<hbm>>) dst(%arg9 : memref<200x64xf32, #tpu.memory_space<vmem>>)
      %dma_wait3A_289 = arith.constant 0 : i32
      %dma_wait3A_290 = arith.constant 0 : i32
      %dma_wait3A_291 = tpu.memref_slice %arg5[%dma_wait3A_289, %dma_wait3A_290] : memref<819200x64xf32, #tpu.memory_space<hbm>> -> memref<200x64xf32, #tpu.memory_space<hbm>>
      %dma_wait3A_292 = arith.constant 0 : i32
      %dma_wait3A_293 = arith.constant 0 : i32
      %dma_wait3A_294 = tpu.memref_slice %arg5[%dma_wait3A_292, %dma_wait3A_293] : memref<819200x64xf32, #tpu.memory_space<hbm>> -> memref<200x64xf32, #tpu.memory_space<hbm>>
      tpu.wait_dma2 semaphore(%arg16 : memref<!tpu.dma_semaphore, #tpu.memory_space<semaphore_mem>>) src(%arg7 : memref<200x64xf32, #tpu.memory_space<vmem>>) dst(%dma_wait3A_294 : memref<200x64xf32, #tpu.memory_space<hbm>>)
      %add3A_295 = arith.constant 2 : i32
      %add3A_296 = arith.addi %add3A_282, %add3A_295 : i32
      %mul3A_297 = arith.constant 200 : i32
      %mul3A_298 = arith.muli %add3A_296, %mul3A_297 : i32
      %dma_start3A_299 = tpu.memref_slice %arg6[%mul3A_298] : memref<25600xi32, #tpu.memory_space<vmem>> -> memref<200xi32, #tpu.memory_space<vmem>>
      %dma_start3A_300 = arith.constant 0 : i32
      %dma_start3A_301 = arith.constant 0 : i32
      %dma_start3A_302 = tpu.memref_slice %arg3[%dma_start3A_300, %dma_start3A_301] : memref<100000x64xf32, #tpu.memory_space<hbm>> -> memref<100000x64xf32, #tpu.memory_space<hbm>>
      tpu.enqueue_indirect_dma source(%dma_start3A_302 : memref<100000x64xf32, #tpu.memory_space<hbm>>) target(%arg7 : memref<200x64xf32, #tpu.memory_space<vmem>>) offsets(%dma_start3A_299 : memref<200xi32, #tpu.memory_space<vmem>>) semaphore(%arg12 : memref<!tpu.dma_semaphore, #tpu.memory_space<semaphore_mem>>)
      %parallel_loop3A_303 = arith.constant 0 : i32
      %parallel_loop3A_304 = arith.constant 200 : i32
      %parallel_loop3A_305 = arith.constant 1 : i32
      scf.for %parallel_loop3A_345 = %parallel_loop3A_303 to %parallel_loop3A_304 step %parallel_loop3A_305  : i32 {
        %parallel_loop3A_346 = arith.index_cast %parallel_loop3A_345 : i32 to index
        %parallel_loop3A_347 = arith.constant 0 : index
        %parallel_loop3A_348 = tpu.vector_load %arg11[%parallel_loop3A_346, %parallel_loop3A_347] {strides = array<i32>} : memref<200x64xf32, #tpu.memory_space<vmem>>, vector<1x16xf32>,
        %parallel_loop3A_349 = vector.shape_cast %parallel_loop3A_348 : vector<1x16xf32> to vector<16xf32>
        %parallel_loop3A_350 = arith.index_cast %parallel_loop3A_345 : i32 to index
        %parallel_loop3A_351 = arith.constant 0 : index
        %parallel_loop3A_352 = tpu.vector_load %arg9[%parallel_loop3A_350, %parallel_loop3A_351] {strides = array<i32>} : memref<200x64xf32, #tpu.memory_space<vmem>>, vector<1x16xf32>,
        %parallel_loop3A_353 = vector.shape_cast %parallel_loop3A_352 : vector<1x16xf32> to vector<16xf32>
        %parallel_loop3A_354 = vector.shape_cast %parallel_loop3A_349 : vector<16xf32> to vector<1x16xf32>
        tpu.vector_store %arg9[%parallel_loop3A_350, %parallel_loop3A_351], %parallel_loop3A_354 {add = true, strides = array<i32>} : memref<200x64xf32, #tpu.memory_space<vmem>>, vector<1x16xf32>,
        %parallel_loop3A_355 = arith.index_cast %parallel_loop3A_345 : i32 to index
        %parallel_loop3A_356 = arith.constant 16 : index
        %parallel_loop3A_357 = tpu.vector_load %arg11[%parallel_loop3A_355, %parallel_loop3A_356] {strides = array<i32>} : memref<200x64xf32, #tpu.memory_space<vmem>>, vector<1x16xf32>,
        %parallel_loop3A_358 = vector.shape_cast %parallel_loop3A_357 : vector<1x16xf32> to vector<16xf32>
        %parallel_loop3A_359 = arith.index_cast %parallel_loop3A_345 : i32 to index
        %parallel_loop3A_360 = arith.constant 16 : index
        %parallel_loop3A_361 = tpu.vector_load %arg9[%parallel_loop3A_359, %parallel_loop3A_360] {strides = array<i32>} : memref<200x64xf32, #tpu.memory_space<vmem>>, vector<1x16xf32>,
        %parallel_loop3A_362 = vector.shape_cast %parallel_loop3A_361 : vector<1x16xf32> to vector<16xf32>
        %parallel_loop3A_363 = vector.shape_cast %parallel_loop3A_358 : vector<16xf32> to vector<1x16xf32>
        tpu.vector_store %arg9[%parallel_loop3A_359, %parallel_loop3A_360], %parallel_loop3A_363 {add = true, strides = array<i32>} : memref<200x64xf32, #tpu.memory_space<vmem>>, vector<1x16xf32>,
        %parallel_loop3A_364 = arith.index_cast %parallel_loop3A_345 : i32 to index
        %parallel_loop3A_365 = arith.constant 32 : index
        %parallel_loop3A_366 = tpu.vector_load %arg11[%parallel_loop3A_364, %parallel_loop3A_365] {strides = array<i32>} : memref<200x64xf32, #tpu.memory_space<vmem>>, vector<1x16xf32>,
        %parallel_loop3A_367 = vector.shape_cast %parallel_loop3A_366 : vector<1x16xf32> to vector<16xf32>
        %parallel_loop3A_368 = arith.index_cast %parallel_loop3A_345 : i32 to index
        %parallel_loop3A_369 = arith.constant 32 : index
        %parallel_loop3A_370 = tpu.vector_load %arg9[%parallel_loop3A_368, %parallel_loop3A_369] {strides = array<i32>} : memref<200x64xf32, #tpu.memory_space<vmem>>, vector<1x16xf32>,
        %parallel_loop3A_371 = vector.shape_cast %parallel_loop3A_370 : vector<1x16xf32> to vector<16xf32>
        %parallel_loop3A_372 = vector.shape_cast %parallel_loop3A_367 : vector<16xf32> to vector<1x16xf32>
        tpu.vector_store %arg9[%parallel_loop3A_368, %parallel_loop3A_369], %parallel_loop3A_372 {add = true, strides = array<i32>} : memref<200x64xf32, #tpu.memory_space<vmem>>, vector<1x16xf32>,
        %parallel_loop3A_373 = arith.index_cast %parallel_loop3A_345 : i32 to index
        %parallel_loop3A_374 = arith.constant 48 : index
        %parallel_loop3A_375 = tpu.vector_load %arg11[%parallel_loop3A_373, %parallel_loop3A_374] {strides = array<i32>} : memref<200x64xf32, #tpu.memory_space<vmem>>, vector<1x16xf32>,
        %parallel_loop3A_376 = vector.shape_cast %parallel_loop3A_375 : vector<1x16xf32> to vector<16xf32>
        %parallel_loop3A_377 = arith.index_cast %parallel_loop3A_345 : i32 to index
        %parallel_loop3A_378 = arith.constant 48 : index
        %parallel_loop3A_379 = tpu.vector_load %arg9[%parallel_loop3A_377, %parallel_loop3A_378] {strides = array<i32>} : memref<200x64xf32, #tpu.memory_space<vmem>>, vector<1x16xf32>,
        %parallel_loop3A_380 = vector.shape_cast %parallel_loop3A_379 : vector<1x16xf32> to vector<16xf32>
        %parallel_loop3A_381 = vector.shape_cast %parallel_loop3A_376 : vector<16xf32> to vector<1x16xf32>
        tpu.vector_store %arg9[%parallel_loop3A_377, %parallel_loop3A_378], %parallel_loop3A_381 {add = true, strides = array<i32>} : memref<200x64xf32, #tpu.memory_space<vmem>>, vector<1x16xf32>,
      } {sc.loop_unroll_factor = 4 : i64, sc.parallel_access}
      %mul3A_306 = arith.constant 200 : i32
      %mul3A_307 = arith.muli %add3A_282, %mul3A_306 : i32
      %add3A_308 = arith.addi %mul3A_2, %mul3A_307 : i32
      %dma_start3A_309 = arith.constant 0 : i32
      %dma_start3A_310 = tpu.memref_slice %arg5[%add3A_308, %dma_start3A_309] : memref<819200x64xf32, #tpu.memory_space<hbm>> -> memref<200x64xf32, #tpu.memory_space<hbm>>
      %dma_start3A_311 = arith.constant 0 : i32
      %dma_start3A_312 = tpu.memref_slice %arg5[%add3A_308, %dma_start3A_311] : memref<819200x64xf32, #tpu.memory_space<hbm>> -> memref<200x64xf32, #tpu.memory_space<hbm>>
      tpu.enqueue_dma source(%arg9 : memref<200x64xf32, #tpu.memory_space<vmem>>) target(%dma_start3A_312 : memref<200x64xf32, #tpu.memory_space<hbm>>) target_semaphore(%arg18 : memref<!tpu.dma_semaphore, #tpu.memory_space<semaphore_mem>>)
      %add3A_313 = arith.constant 3 : i32
      %add3A_314 = arith.addi %add3A_216, %add3A_313 : i32
      %dma_wait3A_315 = arith.constant 0 : i32
      %dma_wait3A_316 = arith.constant 0 : i32
      %dma_wait3A_317 = tpu.memref_slice %arg5[%dma_wait3A_315, %dma_wait3A_316] : memref<819200x64xf32, #tpu.memory_space<hbm>> -> memref<200x64xf32, #tpu.memory_space<hbm>>
      %dma_wait3A_318 = arith.constant 0 : i32
      %dma_wait3A_319 = arith.constant 0 : i32
      %dma_wait3A_320 = tpu.memref_slice %arg5[%dma_wait3A_318, %dma_wait3A_319] : memref<819200x64xf32, #tpu.memory_space<hbm>> -> memref<200x64xf32, #tpu.memory_space<hbm>>
      tpu.wait_dma2 semaphore(%arg15 : memref<!tpu.dma_semaphore, #tpu.memory_space<semaphore_mem>>) src(%dma_wait3A_320 : memref<200x64xf32, #tpu.memory_space<hbm>>) dst(%arg10 : memref<200x64xf32, #tpu.memory_space<vmem>>)
      %dma_wait3A_321 = arith.constant 0 : i32
      %dma_wait3A_322 = arith.constant 0 : i32
      %dma_wait3A_323 = tpu.memref_slice %arg5[%dma_wait3A_321, %dma_wait3A_322] : memref<819200x64xf32, #tpu.memory_space<hbm>> -> memref<200x64xf32, #tpu.memory_space<hbm>>
      %dma_wait3A_324 = arith.constant 0 : i32
      %dma_wait3A_325 = arith.constant 0 : i32
      %dma_wait3A_326 = tpu.memref_slice %arg5[%dma_wait3A_324, %dma_wait3A_325] : memref<819200x64xf32, #tpu.memory_space<hbm>> -> memref<200x64xf32, #tpu.memory_space<hbm>>
      tpu.wait_dma2 semaphore(%arg17 : memref<!tpu.dma_semaphore, #tpu.memory_space<semaphore_mem>>) src(%arg8 : memref<200x64xf32, #tpu.memory_space<vmem>>) dst(%dma_wait3A_326 : memref<200x64xf32, #tpu.memory_space<hbm>>)
      %add3A_327 = arith.constant 2 : i32
      %add3A_328 = arith.addi %add3A_314, %add3A_327 : i32
      %mul3A_329 = arith.constant 200 : i32
      %mul3A_330 = arith.muli %add3A_328, %mul3A_329 : i32
      %dma_start3A_331 = tpu.memref_slice %arg6[%mul3A_330] : memref<25600xi32, #tpu.memory_space<vmem>> -> memref<200xi32, #tpu.memory_space<vmem>>
      %dma_start3A_332 = arith.constant 0 : i32
      %dma_start3A_333 = arith.constant 0 : i32
      %dma_start3A_334 = tpu.memref_slice %arg3[%dma_start3A_332, %dma_start3A_333] : memref<100000x64xf32, #tpu.memory_space<hbm>> -> memref<100000x64xf32, #tpu.memory_space<hbm>>
      tpu.enqueue_indirect_dma source(%dma_start3A_334 : memref<100000x64xf32, #tpu.memory_space<hbm>>) target(%arg8 : memref<200x64xf32, #tpu.memory_space<vmem>>) offsets(%dma_start3A_331 : memref<200xi32, #tpu.memory_space<vmem>>) semaphore(%arg13 : memref<!tpu.dma_semaphore, #tpu.memory_space<semaphore_mem>>)
      %parallel_loop3A_335 = arith.constant 0 : i32
      %parallel_loop3A_336 = arith.constant 200 : i32
      %parallel_loop3A_337 = arith.constant 1 : i32
      scf.for %parallel_loop3A_345 = %parallel_loop3A_335 to %parallel_loop3A_336 step %parallel_loop3A_337  : i32 {
        %parallel_loop3A_346 = arith.index_cast %parallel_loop3A_345 : i32 to index
        %parallel_loop3A_347 = arith.constant 0 : index
        %parallel_loop3A_348 = tpu.vector_load %arg11[%parallel_loop3A_346, %parallel_loop3A_347] {strides = array<i32>} : memref<200x64xf32, #tpu.memory_space<vmem>>, vector<1x16xf32>,
        %parallel_loop3A_349 = vector.shape_cast %parallel_loop3A_348 : vector<1x16xf32> to vector<16xf32>
        %parallel_loop3A_350 = arith.index_cast %parallel_loop3A_345 : i32 to index
        %parallel_loop3A_351 = arith.constant 0 : index
        %parallel_loop3A_352 = tpu.vector_load %arg10[%parallel_loop3A_350, %parallel_loop3A_351] {strides = array<i32>} : memref<200x64xf32, #tpu.memory_space<vmem>>, vector<1x16xf32>,
        %parallel_loop3A_353 = vector.shape_cast %parallel_loop3A_352 : vector<1x16xf32> to vector<16xf32>
        %parallel_loop3A_354 = vector.shape_cast %parallel_loop3A_349 : vector<16xf32> to vector<1x16xf32>
        tpu.vector_store %arg10[%parallel_loop3A_350, %parallel_loop3A_351], %parallel_loop3A_354 {add = true, strides = array<i32>} : memref<200x64xf32, #tpu.memory_space<vmem>>, vector<1x16xf32>,
        %parallel_loop3A_355 = arith.index_cast %parallel_loop3A_345 : i32 to index
        %parallel_loop3A_356 = arith.constant 16 : index
        %parallel_loop3A_357 = tpu.vector_load %arg11[%parallel_loop3A_355, %parallel_loop3A_356] {strides = array<i32>} : memref<200x64xf32, #tpu.memory_space<vmem>>, vector<1x16xf32>,
        %parallel_loop3A_358 = vector.shape_cast %parallel_loop3A_357 : vector<1x16xf32> to vector<16xf32>
        %parallel_loop3A_359 = arith.index_cast %parallel_loop3A_345 : i32 to index
        %parallel_loop3A_360 = arith.constant 16 : index
        %parallel_loop3A_361 = tpu.vector_load %arg10[%parallel_loop3A_359, %parallel_loop3A_360] {strides = array<i32>} : memref<200x64xf32, #tpu.memory_space<vmem>>, vector<1x16xf32>,
        %parallel_loop3A_362 = vector.shape_cast %parallel_loop3A_361 : vector<1x16xf32> to vector<16xf32>
        %parallel_loop3A_363 = vector.shape_cast %parallel_loop3A_358 : vector<16xf32> to vector<1x16xf32>
        tpu.vector_store %arg10[%parallel_loop3A_359, %parallel_loop3A_360], %parallel_loop3A_363 {add = true, strides = array<i32>} : memref<200x64xf32, #tpu.memory_space<vmem>>, vector<1x16xf32>,
        %parallel_loop3A_364 = arith.index_cast %parallel_loop3A_345 : i32 to index
        %parallel_loop3A_365 = arith.constant 32 : index
        %parallel_loop3A_366 = tpu.vector_load %arg11[%parallel_loop3A_364, %parallel_loop3A_365] {strides = array<i32>} : memref<200x64xf32, #tpu.memory_space<vmem>>, vector<1x16xf32>,
        %parallel_loop3A_367 = vector.shape_cast %parallel_loop3A_366 : vector<1x16xf32> to vector<16xf32>
        %parallel_loop3A_368 = arith.index_cast %parallel_loop3A_345 : i32 to index
        %parallel_loop3A_369 = arith.constant 32 : index
        %parallel_loop3A_370 = tpu.vector_load %arg10[%parallel_loop3A_368, %parallel_loop3A_369] {strides = array<i32>} : memref<200x64xf32, #tpu.memory_space<vmem>>, vector<1x16xf32>,
        %parallel_loop3A_371 = vector.shape_cast %parallel_loop3A_370 : vector<1x16xf32> to vector<16xf32>
        %parallel_loop3A_372 = vector.shape_cast %parallel_loop3A_367 : vector<16xf32> to vector<1x16xf32>
        tpu.vector_store %arg10[%parallel_loop3A_368, %parallel_loop3A_369], %parallel_loop3A_372 {add = true, strides = array<i32>} : memref<200x64xf32, #tpu.memory_space<vmem>>, vector<1x16xf32>,
        %parallel_loop3A_373 = arith.index_cast %parallel_loop3A_345 : i32 to index
        %parallel_loop3A_374 = arith.constant 48 : index
        %parallel_loop3A_375 = tpu.vector_load %arg11[%parallel_loop3A_373, %parallel_loop3A_374] {strides = array<i32>} : memref<200x64xf32, #tpu.memory_space<vmem>>, vector<1x16xf32>,
        %parallel_loop3A_376 = vector.shape_cast %parallel_loop3A_375 : vector<1x16xf32> to vector<16xf32>
        %parallel_loop3A_377 = arith.index_cast %parallel_loop3A_345 : i32 to index
        %parallel_loop3A_378 = arith.constant 48 : index
        %parallel_loop3A_379 = tpu.vector_load %arg10[%parallel_loop3A_377, %parallel_loop3A_378] {strides = array<i32>} : memref<200x64xf32, #tpu.memory_space<vmem>>, vector<1x16xf32>,
        %parallel_loop3A_380 = vector.shape_cast %parallel_loop3A_379 : vector<1x16xf32> to vector<16xf32>
        %parallel_loop3A_381 = vector.shape_cast %parallel_loop3A_376 : vector<16xf32> to vector<1x16xf32>
        tpu.vector_store %arg10[%parallel_loop3A_377, %parallel_loop3A_378], %parallel_loop3A_381 {add = true, strides = array<i32>} : memref<200x64xf32, #tpu.memory_space<vmem>>, vector<1x16xf32>,
      } {sc.loop_unroll_factor = 4 : i64, sc.parallel_access}
      %mul3A_338 = arith.constant 200 : i32
      %mul3A_339 = arith.muli %add3A_314, %mul3A_338 : i32
      %add3A_340 = arith.addi %mul3A_2, %mul3A_339 : i32
      %dma_start3A_341 = arith.constant 0 : i32
      %dma_start3A_342 = tpu.memref_slice %arg5[%add3A_340, %dma_start3A_341] : memref<819200x64xf32, #tpu.memory_space<hbm>> -> memref<200x64xf32, #tpu.memory_space<hbm>>
      %dma_start3A_343 = arith.constant 0 : i32
      %dma_start3A_344 = tpu.memref_slice %arg5[%add3A_340, %dma_start3A_343] : memref<819200x64xf32, #tpu.memory_space<hbm>> -> memref<200x64xf32, #tpu.memory_space<hbm>>
      tpu.enqueue_dma source(%arg10 : memref<200x64xf32, #tpu.memory_space<vmem>>) target(%dma_start3A_344 : memref<200x64xf32, #tpu.memory_space<hbm>>) target_semaphore(%arg19 : memref<!tpu.dma_semaphore, #tpu.memory_space<semaphore_mem>>)
    }
    %scan3A_105 = arith.constant 30 : i32
    %dma_wait3A_106 = arith.constant 0 : i32
    %dma_wait3A_107 = arith.constant 0 : i32
    %dma_wait3A_108 = tpu.memref_slice %arg5[%dma_wait3A_106, %dma_wait3A_107] : memref<819200x64xf32, #tpu.memory_space<hbm>> -> memref<200x64xf32, #tpu.memory_space<hbm>>
    %dma_wait3A_109 = arith.constant 0 : i32
    %dma_wait3A_110 = arith.constant 0 : i32
    %dma_wait3A_111 = tpu.memref_slice %arg5[%dma_wait3A_109, %dma_wait3A_110] : memref<819200x64xf32, #tpu.memory_space<hbm>> -> memref<200x64xf32, #tpu.memory_space<hbm>>
    tpu.wait_dma2 semaphore(%arg12 : memref<!tpu.dma_semaphore, #tpu.memory_space<semaphore_mem>>) src(%dma_wait3A_111 : memref<200x64xf32, #tpu.memory_space<hbm>>) dst(%arg7 : memref<200x64xf32, #tpu.memory_space<vmem>>)
    %dma_wait3A_112 = arith.constant 0 : i32
    %dma_wait3A_113 = arith.constant 0 : i32
    %dma_wait3A_114 = tpu.memref_slice %arg5[%dma_wait3A_112, %dma_wait3A_113] : memref<819200x64xf32, #tpu.memory_space<hbm>> -> memref<200x64xf32, #tpu.memory_space<hbm>>
    %dma_wait3A_115 = arith.constant 0 : i32
    %dma_wait3A_116 = arith.constant 0 : i32
    %dma_wait3A_117 = tpu.memref_slice %arg5[%dma_wait3A_115, %dma_wait3A_116] : memref<819200x64xf32, #tpu.memory_space<hbm>> -> memref<200x64xf32, #tpu.memory_space<hbm>>
    tpu.wait_dma2 semaphore(%arg18 : memref<!tpu.dma_semaphore, #tpu.memory_space<semaphore_mem>>) src(%arg9 : memref<200x64xf32, #tpu.memory_space<vmem>>) dst(%dma_wait3A_117 : memref<200x64xf32, #tpu.memory_space<hbm>>)
    %dma_start3A_118 = arith.constant 25200 : i32
    %dma_start3A_119 = tpu.memref_slice %arg6[%dma_start3A_118] : memref<25600xi32, #tpu.memory_space<vmem>> -> memref<200xi32, #tpu.memory_space<vmem>>
    %dma_start3A_120 = arith.constant 0 : i32
    %dma_start3A_121 = arith.constant 0 : i32
    %dma_start3A_122 = tpu.memref_slice %arg3[%dma_start3A_120, %dma_start3A_121] : memref<100000x64xf32, #tpu.memory_space<hbm>> -> memref<100000x64xf32, #tpu.memory_space<hbm>>
    tpu.enqueue_indirect_dma source(%dma_start3A_122 : memref<100000x64xf32, #tpu.memory_space<hbm>>) target(%arg9 : memref<200x64xf32, #tpu.memory_space<vmem>>) offsets(%dma_start3A_119 : memref<200xi32, #tpu.memory_space<vmem>>) semaphore(%arg14 : memref<!tpu.dma_semaphore, #tpu.memory_space<semaphore_mem>>)
    %parallel_loop3A_123 = arith.constant 0 : i32
    %parallel_loop3A_124 = arith.constant 200 : i32
    %parallel_loop3A_125 = arith.constant 1 : i32
    scf.for %parallel_loop3A_212 = %parallel_loop3A_123 to %parallel_loop3A_124 step %parallel_loop3A_125  : i32 {
      %parallel_loop3A_213 = arith.index_cast %parallel_loop3A_212 : i32 to index
      %parallel_loop3A_214 = arith.constant 0 : index
      %parallel_loop3A_215 = tpu.vector_load %arg11[%parallel_loop3A_213, %parallel_loop3A_214] {strides = array<i32>} : memref<200x64xf32, #tpu.memory_space<vmem>>, vector<1x16xf32>,
      %parallel_loop3A_216 = vector.shape_cast %parallel_loop3A_215 : vector<1x16xf32> to vector<16xf32>
      %parallel_loop3A_217 = arith.index_cast %parallel_loop3A_212 : i32 to index
      %parallel_loop3A_218 = arith.constant 0 : index
      %parallel_loop3A_219 = tpu.vector_load %arg7[%parallel_loop3A_217, %parallel_loop3A_218] {strides = array<i32>} : memref<200x64xf32, #tpu.memory_space<vmem>>, vector<1x16xf32>,
      %parallel_loop3A_220 = vector.shape_cast %parallel_loop3A_219 : vector<1x16xf32> to vector<16xf32>
      %parallel_loop3A_221 = vector.shape_cast %parallel_loop3A_216 : vector<16xf32> to vector<1x16xf32>
      tpu.vector_store %arg7[%parallel_loop3A_217, %parallel_loop3A_218], %parallel_loop3A_221 {add = true, strides = array<i32>} : memref<200x64xf32, #tpu.memory_space<vmem>>, vector<1x16xf32>,
      %parallel_loop3A_222 = arith.index_cast %parallel_loop3A_212 : i32 to index
      %parallel_loop3A_223 = arith.constant 16 : index
      %parallel_loop3A_224 = tpu.vector_load %arg11[%parallel_loop3A_222, %parallel_loop3A_223] {strides = array<i32>} : memref<200x64xf32, #tpu.memory_space<vmem>>, vector<1x16xf32>,
      %parallel_loop3A_225 = vector.shape_cast %parallel_loop3A_224 : vector<1x16xf32> to vector<16xf32>
      %parallel_loop3A_226 = arith.index_cast %parallel_loop3A_212 : i32 to index
      %parallel_loop3A_227 = arith.constant 16 : index
      %parallel_loop3A_228 = tpu.vector_load %arg7[%parallel_loop3A_226, %parallel_loop3A_227] {strides = array<i32>} : memref<200x64xf32, #tpu.memory_space<vmem>>, vector<1x16xf32>,
      %parallel_loop3A_229 = vector.shape_cast %parallel_loop3A_228 : vector<1x16xf32> to vector<16xf32>
      %parallel_loop3A_230 = vector.shape_cast %parallel_loop3A_225 : vector<16xf32> to vector<1x16xf32>
      tpu.vector_store %arg7[%parallel_loop3A_226, %parallel_loop3A_227], %parallel_loop3A_230 {add = true, strides = array<i32>} : memref<200x64xf32, #tpu.memory_space<vmem>>, vector<1x16xf32>,
      %parallel_loop3A_231 = arith.index_cast %parallel_loop3A_212 : i32 to index
      %parallel_loop3A_232 = arith.constant 32 : index
      %parallel_loop3A_233 = tpu.vector_load %arg11[%parallel_loop3A_231, %parallel_loop3A_232] {strides = array<i32>} : memref<200x64xf32, #tpu.memory_space<vmem>>, vector<1x16xf32>,
      %parallel_loop3A_234 = vector.shape_cast %parallel_loop3A_233 : vector<1x16xf32> to vector<16xf32>
      %parallel_loop3A_235 = arith.index_cast %parallel_loop3A_212 : i32 to index
      %parallel_loop3A_236 = arith.constant 32 : index
      %parallel_loop3A_237 = tpu.vector_load %arg7[%parallel_loop3A_235, %parallel_loop3A_236] {strides = array<i32>} : memref<200x64xf32, #tpu.memory_space<vmem>>, vector<1x16xf32>,
      %parallel_loop3A_238 = vector.shape_cast %parallel_loop3A_237 : vector<1x16xf32> to vector<16xf32>
      %parallel_loop3A_239 = vector.shape_cast %parallel_loop3A_234 : vector<16xf32> to vector<1x16xf32>
      tpu.vector_store %arg7[%parallel_loop3A_235, %parallel_loop3A_236], %parallel_loop3A_239 {add = true, strides = array<i32>} : memref<200x64xf32, #tpu.memory_space<vmem>>, vector<1x16xf32>,
      %parallel_loop3A_240 = arith.index_cast %parallel_loop3A_212 : i32 to index
      %parallel_loop3A_241 = arith.constant 48 : index
      %parallel_loop3A_242 = tpu.vector_load %arg11[%parallel_loop3A_240, %parallel_loop3A_241] {strides = array<i32>} : memref<200x64xf32, #tpu.memory_space<vmem>>, vector<1x16xf32>,
      %parallel_loop3A_243 = vector.shape_cast %parallel_loop3A_242 : vector<1x16xf32> to vector<16xf32>
      %parallel_loop3A_244 = arith.index_cast %parallel_loop3A_212 : i32 to index
      %parallel_loop3A_245 = arith.constant 48 : index
      %parallel_loop3A_246 = tpu.vector_load %arg7[%parallel_loop3A_244, %parallel_loop3A_245] {strides = array<i32>} : memref<200x64xf32, #tpu.memory_space<vmem>>, vector<1x16xf32>,
      %parallel_loop3A_247 = vector.shape_cast %parallel_loop3A_246 : vector<1x16xf32> to vector<16xf32>
      %parallel_loop3A_248 = vector.shape_cast %parallel_loop3A_243 : vector<16xf32> to vector<1x16xf32>
      tpu.vector_store %arg7[%parallel_loop3A_244, %parallel_loop3A_245], %parallel_loop3A_248 {add = true, strides = array<i32>} : memref<200x64xf32, #tpu.memory_space<vmem>>, vector<1x16xf32>,
    } {sc.loop_unroll_factor = 4 : i64, sc.parallel_access}
    %add3A_126 = arith.constant 24800 : i32
    %add3A_127 = arith.addi %mul3A_2, %add3A_126 : i32
    %dma_start3A_128 = arith.constant 0 : i32
    %dma_start3A_129 = tpu.memref_slice %arg5[%add3A_127, %dma_start3A_128] : memref<819200x64xf32, #tpu.memory_space<hbm>> -> memref<200x64xf32, #tpu.memory_space<hbm>>
    %dma_start3A_130 = arith.constant 0 : i32
    %dma_start3A_131 = tpu.memref_slice %arg5[%add3A_127, %dma_start3A_130] : memref<819200x64xf32, #tpu.memory_space<hbm>> -> memref<200x64xf32, #tpu.memory_space<hbm>>
    tpu.enqueue_dma source(%arg7 : memref<200x64xf32, #tpu.memory_space<vmem>>) target(%dma_start3A_131 : memref<200x64xf32, #tpu.memory_space<hbm>>) target_semaphore(%arg16 : memref<!tpu.dma_semaphore, #tpu.memory_space<semaphore_mem>>)
    %dma_wait3A_132 = arith.constant 0 : i32
    %dma_wait3A_133 = arith.constant 0 : i32
    %dma_wait3A_134 = tpu.memref_slice %arg5[%dma_wait3A_132, %dma_wait3A_133] : memref<819200x64xf32, #tpu.memory_space<hbm>> -> memref<200x64xf32, #tpu.memory_space<hbm>>
    %dma_wait3A_135 = arith.constant 0 : i32
    %dma_wait3A_136 = arith.constant 0 : i32
    %dma_wait3A_137 = tpu.memref_slice %arg5[%dma_wait3A_135, %dma_wait3A_136] : memref<819200x64xf32, #tpu.memory_space<hbm>> -> memref<200x64xf32, #tpu.memory_space<hbm>>
    tpu.wait_dma2 semaphore(%arg13 : memref<!tpu.dma_semaphore, #tpu.memory_space<semaphore_mem>>) src(%dma_wait3A_137 : memref<200x64xf32, #tpu.memory_space<hbm>>) dst(%arg8 : memref<200x64xf32, #tpu.memory_space<vmem>>)
    %dma_wait3A_138 = arith.constant 0 : i32
    %dma_wait3A_139 = arith.constant 0 : i32
    %dma_wait3A_140 = tpu.memref_slice %arg5[%dma_wait3A_138, %dma_wait3A_139] : memref<819200x64xf32, #tpu.memory_space<hbm>> -> memref<200x64xf32, #tpu.memory_space<hbm>>
    %dma_wait3A_141 = arith.constant 0 : i32
    %dma_wait3A_142 = arith.constant 0 : i32
    %dma_wait3A_143 = tpu.memref_slice %arg5[%dma_wait3A_141, %dma_wait3A_142] : memref<819200x64xf32, #tpu.memory_space<hbm>> -> memref<200x64xf32, #tpu.memory_space<hbm>>
    tpu.wait_dma2 semaphore(%arg19 : memref<!tpu.dma_semaphore, #tpu.memory_space<semaphore_mem>>) src(%arg10 : memref<200x64xf32, #tpu.memory_space<vmem>>) dst(%dma_wait3A_143 : memref<200x64xf32, #tpu.memory_space<hbm>>)
    %dma_start3A_144 = arith.constant 25400 : i32
    %dma_start3A_145 = tpu.memref_slice %arg6[%dma_start3A_144] : memref<25600xi32, #tpu.memory_space<vmem>> -> memref<200xi32, #tpu.memory_space<vmem>>
    %dma_start3A_146 = arith.constant 0 : i32
    %dma_start3A_147 = arith.constant 0 : i32
    %dma_start3A_148 = tpu.memref_slice %arg3[%dma_start3A_146, %dma_start3A_147] : memref<100000x64xf32, #tpu.memory_space<hbm>> -> memref<100000x64xf32, #tpu.memory_space<hbm>>
    tpu.enqueue_indirect_dma source(%dma_start3A_148 : memref<100000x64xf32, #tpu.memory_space<hbm>>) target(%arg10 : memref<200x64xf32, #tpu.memory_space<vmem>>) offsets(%dma_start3A_145 : memref<200xi32, #tpu.memory_space<vmem>>) semaphore(%arg15 : memref<!tpu.dma_semaphore, #tpu.memory_space<semaphore_mem>>)
    %parallel_loop3A_149 = arith.constant 0 : i32
    %parallel_loop3A_150 = arith.constant 200 : i32
    %parallel_loop3A_151 = arith.constant 1 : i32
    scf.for %parallel_loop3A_212 = %parallel_loop3A_149 to %parallel_loop3A_150 step %parallel_loop3A_151  : i32 {
      %parallel_loop3A_213 = arith.index_cast %parallel_loop3A_212 : i32 to index
      %parallel_loop3A_214 = arith.constant 0 : index
      %parallel_loop3A_215 = tpu.vector_load %arg11[%parallel_loop3A_213, %parallel_loop3A_214] {strides = array<i32>} : memref<200x64xf32, #tpu.memory_space<vmem>>, vector<1x16xf32>,
      %parallel_loop3A_216 = vector.shape_cast %parallel_loop3A_215 : vector<1x16xf32> to vector<16xf32>
      %parallel_loop3A_217 = arith.index_cast %parallel_loop3A_212 : i32 to index
      %parallel_loop3A_218 = arith.constant 0 : index
      %parallel_loop3A_219 = tpu.vector_load %arg8[%parallel_loop3A_217, %parallel_loop3A_218] {strides = array<i32>} : memref<200x64xf32, #tpu.memory_space<vmem>>, vector<1x16xf32>,
      %parallel_loop3A_220 = vector.shape_cast %parallel_loop3A_219 : vector<1x16xf32> to vector<16xf32>
      %parallel_loop3A_221 = vector.shape_cast %parallel_loop3A_216 : vector<16xf32> to vector<1x16xf32>
      tpu.vector_store %arg8[%parallel_loop3A_217, %parallel_loop3A_218], %parallel_loop3A_221 {add = true, strides = array<i32>} : memref<200x64xf32, #tpu.memory_space<vmem>>, vector<1x16xf32>,
      %parallel_loop3A_222 = arith.index_cast %parallel_loop3A_212 : i32 to index
      %parallel_loop3A_223 = arith.constant 16 : index
      %parallel_loop3A_224 = tpu.vector_load %arg11[%parallel_loop3A_222, %parallel_loop3A_223] {strides = array<i32>} : memref<200x64xf32, #tpu.memory_space<vmem>>, vector<1x16xf32>,
      %parallel_loop3A_225 = vector.shape_cast %parallel_loop3A_224 : vector<1x16xf32> to vector<16xf32>
      %parallel_loop3A_226 = arith.index_cast %parallel_loop3A_212 : i32 to index
      %parallel_loop3A_227 = arith.constant 16 : index
      %parallel_loop3A_228 = tpu.vector_load %arg8[%parallel_loop3A_226, %parallel_loop3A_227] {strides = array<i32>} : memref<200x64xf32, #tpu.memory_space<vmem>>, vector<1x16xf32>,
      %parallel_loop3A_229 = vector.shape_cast %parallel_loop3A_228 : vector<1x16xf32> to vector<16xf32>
      %parallel_loop3A_230 = vector.shape_cast %parallel_loop3A_225 : vector<16xf32> to vector<1x16xf32>
      tpu.vector_store %arg8[%parallel_loop3A_226, %parallel_loop3A_227], %parallel_loop3A_230 {add = true, strides = array<i32>} : memref<200x64xf32, #tpu.memory_space<vmem>>, vector<1x16xf32>,
      %parallel_loop3A_231 = arith.index_cast %parallel_loop3A_212 : i32 to index
      %parallel_loop3A_232 = arith.constant 32 : index
      %parallel_loop3A_233 = tpu.vector_load %arg11[%parallel_loop3A_231, %parallel_loop3A_232] {strides = array<i32>} : memref<200x64xf32, #tpu.memory_space<vmem>>, vector<1x16xf32>,
      %parallel_loop3A_234 = vector.shape_cast %parallel_loop3A_233 : vector<1x16xf32> to vector<16xf32>
      %parallel_loop3A_235 = arith.index_cast %parallel_loop3A_212 : i32 to index
      %parallel_loop3A_236 = arith.constant 32 : index
      %parallel_loop3A_237 = tpu.vector_load %arg8[%parallel_loop3A_235, %parallel_loop3A_236] {strides = array<i32>} : memref<200x64xf32, #tpu.memory_space<vmem>>, vector<1x16xf32>,
      %parallel_loop3A_238 = vector.shape_cast %parallel_loop3A_237 : vector<1x16xf32> to vector<16xf32>
      %parallel_loop3A_239 = vector.shape_cast %parallel_loop3A_234 : vector<16xf32> to vector<1x16xf32>
      tpu.vector_store %arg8[%parallel_loop3A_235, %parallel_loop3A_236], %parallel_loop3A_239 {add = true, strides = array<i32>} : memref<200x64xf32, #tpu.memory_space<vmem>>, vector<1x16xf32>,
      %parallel_loop3A_240 = arith.index_cast %parallel_loop3A_212 : i32 to index
      %parallel_loop3A_241 = arith.constant 48 : index
      %parallel_loop3A_242 = tpu.vector_load %arg11[%parallel_loop3A_240, %parallel_loop3A_241] {strides = array<i32>} : memref<200x64xf32, #tpu.memory_space<vmem>>, vector<1x16xf32>,
      %parallel_loop3A_243 = vector.shape_cast %parallel_loop3A_242 : vector<1x16xf32> to vector<16xf32>
      %parallel_loop3A_244 = arith.index_cast %parallel_loop3A_212 : i32 to index
      %parallel_loop3A_245 = arith.constant 48 : index
      %parallel_loop3A_246 = tpu.vector_load %arg8[%parallel_loop3A_244, %parallel_loop3A_245] {strides = array<i32>} : memref<200x64xf32, #tpu.memory_space<vmem>>, vector<1x16xf32>,
      %parallel_loop3A_247 = vector.shape_cast %parallel_loop3A_246 : vector<1x16xf32> to vector<16xf32>
      %parallel_loop3A_248 = vector.shape_cast %parallel_loop3A_243 : vector<16xf32> to vector<1x16xf32>
      tpu.vector_store %arg8[%parallel_loop3A_244, %parallel_loop3A_245], %parallel_loop3A_248 {add = true, strides = array<i32>} : memref<200x64xf32, #tpu.memory_space<vmem>>, vector<1x16xf32>,
    } {sc.loop_unroll_factor = 4 : i64, sc.parallel_access}
    %add3A_152 = arith.constant 25000 : i32
    %add3A_153 = arith.addi %mul3A_2, %add3A_152 : i32
    %dma_start3A_154 = arith.constant 0 : i32
    %dma_start3A_155 = tpu.memref_slice %arg5[%add3A_153, %dma_start3A_154] : memref<819200x64xf32, #tpu.memory_space<hbm>> -> memref<200x64xf32, #tpu.memory_space<hbm>>
    %dma_start3A_156 = arith.constant 0 : i32
    %dma_start3A_157 = tpu.memref_slice %arg5[%add3A_153, %dma_start3A_156] : memref<819200x64xf32, #tpu.memory_space<hbm>> -> memref<200x64xf32, #tpu.memory_space<hbm>>
    tpu.enqueue_dma source(%arg8 : memref<200x64xf32, #tpu.memory_space<vmem>>) target(%dma_start3A_157 : memref<200x64xf32, #tpu.memory_space<hbm>>) target_semaphore(%arg17 : memref<!tpu.dma_semaphore, #tpu.memory_space<semaphore_mem>>)
    %dma_wait3A_158 = arith.constant 0 : i32
    %dma_wait3A_159 = arith.constant 0 : i32
    %dma_wait3A_160 = tpu.memref_slice %arg5[%dma_wait3A_158, %dma_wait3A_159] : memref<819200x64xf32, #tpu.memory_space<hbm>> -> memref<200x64xf32, #tpu.memory_space<hbm>>
    %dma_wait3A_161 = arith.constant 0 : i32
    %dma_wait3A_162 = arith.constant 0 : i32
    %dma_wait3A_163 = tpu.memref_slice %arg5[%dma_wait3A_161, %dma_wait3A_162] : memref<819200x64xf32, #tpu.memory_space<hbm>> -> memref<200x64xf32, #tpu.memory_space<hbm>>
    tpu.wait_dma2 semaphore(%arg14 : memref<!tpu.dma_semaphore, #tpu.memory_space<semaphore_mem>>) src(%dma_wait3A_163 : memref<200x64xf32, #tpu.memory_space<hbm>>) dst(%arg9 : memref<200x64xf32, #tpu.memory_space<vmem>>)
    %parallel_loop3A_164 = arith.constant 0 : i32
    %parallel_loop3A_165 = arith.constant 200 : i32
    %parallel_loop3A_166 = arith.constant 1 : i32
    scf.for %parallel_loop3A_212 = %parallel_loop3A_164 to %parallel_loop3A_165 step %parallel_loop3A_166  : i32 {
      %parallel_loop3A_213 = arith.index_cast %parallel_loop3A_212 : i32 to index
      %parallel_loop3A_214 = arith.constant 0 : index
      %parallel_loop3A_215 = tpu.vector_load %arg11[%parallel_loop3A_213, %parallel_loop3A_214] {strides = array<i32>} : memref<200x64xf32, #tpu.memory_space<vmem>>, vector<1x16xf32>,
      %parallel_loop3A_216 = vector.shape_cast %parallel_loop3A_215 : vector<1x16xf32> to vector<16xf32>
      %parallel_loop3A_217 = arith.index_cast %parallel_loop3A_212 : i32 to index
      %parallel_loop3A_218 = arith.constant 0 : index
      %parallel_loop3A_219 = tpu.vector_load %arg9[%parallel_loop3A_217, %parallel_loop3A_218] {strides = array<i32>} : memref<200x64xf32, #tpu.memory_space<vmem>>, vector<1x16xf32>,
      %parallel_loop3A_220 = vector.shape_cast %parallel_loop3A_219 : vector<1x16xf32> to vector<16xf32>
      %parallel_loop3A_221 = vector.shape_cast %parallel_loop3A_216 : vector<16xf32> to vector<1x16xf32>
      tpu.vector_store %arg9[%parallel_loop3A_217, %parallel_loop3A_218], %parallel_loop3A_221 {add = true, strides = array<i32>} : memref<200x64xf32, #tpu.memory_space<vmem>>, vector<1x16xf32>,
      %parallel_loop3A_222 = arith.index_cast %parallel_loop3A_212 : i32 to index
      %parallel_loop3A_223 = arith.constant 16 : index
      %parallel_loop3A_224 = tpu.vector_load %arg11[%parallel_loop3A_222, %parallel_loop3A_223] {strides = array<i32>} : memref<200x64xf32, #tpu.memory_space<vmem>>, vector<1x16xf32>,
      %parallel_loop3A_225 = vector.shape_cast %parallel_loop3A_224 : vector<1x16xf32> to vector<16xf32>
      %parallel_loop3A_226 = arith.index_cast %parallel_loop3A_212 : i32 to index
      %parallel_loop3A_227 = arith.constant 16 : index
      %parallel_loop3A_228 = tpu.vector_load %arg9[%parallel_loop3A_226, %parallel_loop3A_227] {strides = array<i32>} : memref<200x64xf32, #tpu.memory_space<vmem>>, vector<1x16xf32>,
      %parallel_loop3A_229 = vector.shape_cast %parallel_loop3A_228 : vector<1x16xf32> to vector<16xf32>
      %parallel_loop3A_230 = vector.shape_cast %parallel_loop3A_225 : vector<16xf32> to vector<1x16xf32>
      tpu.vector_store %arg9[%parallel_loop3A_226, %parallel_loop3A_227], %parallel_loop3A_230 {add = true, strides = array<i32>} : memref<200x64xf32, #tpu.memory_space<vmem>>, vector<1x16xf32>,
      %parallel_loop3A_231 = arith.index_cast %parallel_loop3A_212 : i32 to index
      %parallel_loop3A_232 = arith.constant 32 : index
      %parallel_loop3A_233 = tpu.vector_load %arg11[%parallel_loop3A_231, %parallel_loop3A_232] {strides = array<i32>} : memref<200x64xf32, #tpu.memory_space<vmem>>, vector<1x16xf32>,
      %parallel_loop3A_234 = vector.shape_cast %parallel_loop3A_233 : vector<1x16xf32> to vector<16xf32>
      %parallel_loop3A_235 = arith.index_cast %parallel_loop3A_212 : i32 to index
      %parallel_loop3A_236 = arith.constant 32 : index
      %parallel_loop3A_237 = tpu.vector_load %arg9[%parallel_loop3A_235, %parallel_loop3A_236] {strides = array<i32>} : memref<200x64xf32, #tpu.memory_space<vmem>>, vector<1x16xf32>,
      %parallel_loop3A_238 = vector.shape_cast %parallel_loop3A_237 : vector<1x16xf32> to vector<16xf32>
      %parallel_loop3A_239 = vector.shape_cast %parallel_loop3A_234 : vector<16xf32> to vector<1x16xf32>
      tpu.vector_store %arg9[%parallel_loop3A_235, %parallel_loop3A_236], %parallel_loop3A_239 {add = true, strides = array<i32>} : memref<200x64xf32, #tpu.memory_space<vmem>>, vector<1x16xf32>,
      %parallel_loop3A_240 = arith.index_cast %parallel_loop3A_212 : i32 to index
      %parallel_loop3A_241 = arith.constant 48 : index
      %parallel_loop3A_242 = tpu.vector_load %arg11[%parallel_loop3A_240, %parallel_loop3A_241] {strides = array<i32>} : memref<200x64xf32, #tpu.memory_space<vmem>>, vector<1x16xf32>,
      %parallel_loop3A_243 = vector.shape_cast %parallel_loop3A_242 : vector<1x16xf32> to vector<16xf32>
      %parallel_loop3A_244 = arith.index_cast %parallel_loop3A_212 : i32 to index
      %parallel_loop3A_245 = arith.constant 48 : index
      %parallel_loop3A_246 = tpu.vector_load %arg9[%parallel_loop3A_244, %parallel_loop3A_245] {strides = array<i32>} : memref<200x64xf32, #tpu.memory_space<vmem>>, vector<1x16xf32>,
      %parallel_loop3A_247 = vector.shape_cast %parallel_loop3A_246 : vector<1x16xf32> to vector<16xf32>
      %parallel_loop3A_248 = vector.shape_cast %parallel_loop3A_243 : vector<16xf32> to vector<1x16xf32>
      tpu.vector_store %arg9[%parallel_loop3A_244, %parallel_loop3A_245], %parallel_loop3A_248 {add = true, strides = array<i32>} : memref<200x64xf32, #tpu.memory_space<vmem>>, vector<1x16xf32>,
    } {sc.loop_unroll_factor = 4 : i64, sc.parallel_access}
    %add3A_167 = arith.constant 25200 : i32
    %add3A_168 = arith.addi %mul3A_2, %add3A_167 : i32
    %dma_start3A_169 = arith.constant 0 : i32
    %dma_start3A_170 = tpu.memref_slice %arg5[%add3A_168, %dma_start3A_169] : memref<819200x64xf32, #tpu.memory_space<hbm>> -> memref<200x64xf32, #tpu.memory_space<hbm>>
    %dma_start3A_171 = arith.constant 0 : i32
    %dma_start3A_172 = tpu.memref_slice %arg5[%add3A_168, %dma_start3A_171] : memref<819200x64xf32, #tpu.memory_space<hbm>> -> memref<200x64xf32, #tpu.memory_space<hbm>>
    tpu.enqueue_dma source(%arg9 : memref<200x64xf32, #tpu.memory_space<vmem>>) target(%dma_start3A_172 : memref<200x64xf32, #tpu.memory_space<hbm>>) target_semaphore(%arg18 : memref<!tpu.dma_semaphore, #tpu.memory_space<semaphore_mem>>)
    %dma_wait3A_173 = arith.constant 0 : i32
    %dma_wait3A_174 = arith.constant 0 : i32
    %dma_wait3A_175 = tpu.memref_slice %arg5[%dma_wait3A_173, %dma_wait3A_174] : memref<819200x64xf32, #tpu.memory_space<hbm>> -> memref<200x64xf32, #tpu.memory_space<hbm>>
    %dma_wait3A_176 = arith.constant 0 : i32
    %dma_wait3A_177 = arith.constant 0 : i32
    %dma_wait3A_178 = tpu.memref_slice %arg5[%dma_wait3A_176, %dma_wait3A_177] : memref<819200x64xf32, #tpu.memory_space<hbm>> -> memref<200x64xf32, #tpu.memory_space<hbm>>
    tpu.wait_dma2 semaphore(%arg15 : memref<!tpu.dma_semaphore, #tpu.memory_space<semaphore_mem>>) src(%dma_wait3A_178 : memref<200x64xf32, #tpu.memory_space<hbm>>) dst(%arg10 : memref<200x64xf32, #tpu.memory_space<vmem>>)
    %parallel_loop3A_179 = arith.constant 0 : i32
    %parallel_loop3A_180 = arith.constant 200 : i32
    %parallel_loop3A_181 = arith.constant 1 : i32
    scf.for %parallel_loop3A_212 = %parallel_loop3A_179 to %parallel_loop3A_180 step %parallel_loop3A_181  : i32 {
      %parallel_loop3A_213 = arith.index_cast %parallel_loop3A_212 : i32 to index
      %parallel_loop3A_214 = arith.constant 0 : index
      %parallel_loop3A_215 = tpu.vector_load %arg11[%parallel_loop3A_213, %parallel_loop3A_214] {strides = array<i32>} : memref<200x64xf32, #tpu.memory_space<vmem>>, vector<1x16xf32>,
      %parallel_loop3A_216 = vector.shape_cast %parallel_loop3A_215 : vector<1x16xf32> to vector<16xf32>
      %parallel_loop3A_217 = arith.index_cast %parallel_loop3A_212 : i32 to index
      %parallel_loop3A_218 = arith.constant 0 : index
      %parallel_loop3A_219 = tpu.vector_load %arg10[%parallel_loop3A_217, %parallel_loop3A_218] {strides = array<i32>} : memref<200x64xf32, #tpu.memory_space<vmem>>, vector<1x16xf32>,
      %parallel_loop3A_220 = vector.shape_cast %parallel_loop3A_219 : vector<1x16xf32> to vector<16xf32>
      %parallel_loop3A_221 = vector.shape_cast %parallel_loop3A_216 : vector<16xf32> to vector<1x16xf32>
      tpu.vector_store %arg10[%parallel_loop3A_217, %parallel_loop3A_218], %parallel_loop3A_221 {add = true, strides = array<i32>} : memref<200x64xf32, #tpu.memory_space<vmem>>, vector<1x16xf32>,
      %parallel_loop3A_222 = arith.index_cast %parallel_loop3A_212 : i32 to index
      %parallel_loop3A_223 = arith.constant 16 : index
      %parallel_loop3A_224 = tpu.vector_load %arg11[%parallel_loop3A_222, %parallel_loop3A_223] {strides = array<i32>} : memref<200x64xf32, #tpu.memory_space<vmem>>, vector<1x16xf32>,
      %parallel_loop3A_225 = vector.shape_cast %parallel_loop3A_224 : vector<1x16xf32> to vector<16xf32>
      %parallel_loop3A_226 = arith.index_cast %parallel_loop3A_212 : i32 to index
      %parallel_loop3A_227 = arith.constant 16 : index
      %parallel_loop3A_228 = tpu.vector_load %arg10[%parallel_loop3A_226, %parallel_loop3A_227] {strides = array<i32>} : memref<200x64xf32, #tpu.memory_space<vmem>>, vector<1x16xf32>,
      %parallel_loop3A_229 = vector.shape_cast %parallel_loop3A_228 : vector<1x16xf32> to vector<16xf32>
      %parallel_loop3A_230 = vector.shape_cast %parallel_loop3A_225 : vector<16xf32> to vector<1x16xf32>
      tpu.vector_store %arg10[%parallel_loop3A_226, %parallel_loop3A_227], %parallel_loop3A_230 {add = true, strides = array<i32>} : memref<200x64xf32, #tpu.memory_space<vmem>>, vector<1x16xf32>,
      %parallel_loop3A_231 = arith.index_cast %parallel_loop3A_212 : i32 to index
      %parallel_loop3A_232 = arith.constant 32 : index
      %parallel_loop3A_233 = tpu.vector_load %arg11[%parallel_loop3A_231, %parallel_loop3A_232] {strides = array<i32>} : memref<200x64xf32, #tpu.memory_space<vmem>>, vector<1x16xf32>,
      %parallel_loop3A_234 = vector.shape_cast %parallel_loop3A_233 : vector<1x16xf32> to vector<16xf32>
      %parallel_loop3A_235 = arith.index_cast %parallel_loop3A_212 : i32 to index
      %parallel_loop3A_236 = arith.constant 32 : index
      %parallel_loop3A_237 = tpu.vector_load %arg10[%parallel_loop3A_235, %parallel_loop3A_236] {strides = array<i32>} : memref<200x64xf32, #tpu.memory_space<vmem>>, vector<1x16xf32>,
      %parallel_loop3A_238 = vector.shape_cast %parallel_loop3A_237 : vector<1x16xf32> to vector<16xf32>
      %parallel_loop3A_239 = vector.shape_cast %parallel_loop3A_234 : vector<16xf32> to vector<1x16xf32>
      tpu.vector_store %arg10[%parallel_loop3A_235, %parallel_loop3A_236], %parallel_loop3A_239 {add = true, strides = array<i32>} : memref<200x64xf32, #tpu.memory_space<vmem>>, vector<1x16xf32>,
      %parallel_loop3A_240 = arith.index_cast %parallel_loop3A_212 : i32 to index
      %parallel_loop3A_241 = arith.constant 48 : index
      %parallel_loop3A_242 = tpu.vector_load %arg11[%parallel_loop3A_240, %parallel_loop3A_241] {strides = array<i32>} : memref<200x64xf32, #tpu.memory_space<vmem>>, vector<1x16xf32>,
      %parallel_loop3A_243 = vector.shape_cast %parallel_loop3A_242 : vector<1x16xf32> to vector<16xf32>
      %parallel_loop3A_244 = arith.index_cast %parallel_loop3A_212 : i32 to index
      %parallel_loop3A_245 = arith.constant 48 : index
      %parallel_loop3A_246 = tpu.vector_load %arg10[%parallel_loop3A_244, %parallel_loop3A_245] {strides = array<i32>} : memref<200x64xf32, #tpu.memory_space<vmem>>, vector<1x16xf32>,
      %parallel_loop3A_247 = vector.shape_cast %parallel_loop3A_246 : vector<1x16xf32> to vector<16xf32>
      %parallel_loop3A_248 = vector.shape_cast %parallel_loop3A_243 : vector<16xf32> to vector<1x16xf32>
      tpu.vector_store %arg10[%parallel_loop3A_244, %parallel_loop3A_245], %parallel_loop3A_248 {add = true, strides = array<i32>} : memref<200x64xf32, #tpu.memory_space<vmem>>, vector<1x16xf32>,
    } {sc.loop_unroll_factor = 4 : i64, sc.parallel_access}
    %add3A_182 = arith.constant 25400 : i32
    %add3A_183 = arith.addi %mul3A_2, %add3A_182 : i32
    %dma_start3A_184 = arith.constant 0 : i32
    %dma_start3A_185 = tpu.memref_slice %arg5[%add3A_183, %dma_start3A_184] : memref<819200x64xf32, #tpu.memory_space<hbm>> -> memref<200x64xf32, #tpu.memory_space<hbm>>
    %dma_start3A_186 = arith.constant 0 : i32
    %dma_start3A_187 = tpu.memref_slice %arg5[%add3A_183, %dma_start3A_186] : memref<819200x64xf32, #tpu.memory_space<hbm>> -> memref<200x64xf32, #tpu.memory_space<hbm>>
    tpu.enqueue_dma source(%arg10 : memref<200x64xf32, #tpu.memory_space<vmem>>) target(%dma_start3A_187 : memref<200x64xf32, #tpu.memory_space<hbm>>) target_semaphore(%arg19 : memref<!tpu.dma_semaphore, #tpu.memory_space<semaphore_mem>>)
    %dma_wait3A_188 = arith.constant 0 : i32
    %dma_wait3A_189 = arith.constant 0 : i32
    %dma_wait3A_190 = tpu.memref_slice %arg5[%dma_wait3A_188, %dma_wait3A_189] : memref<819200x64xf32, #tpu.memory_space<hbm>> -> memref<200x64xf32, #tpu.memory_space<hbm>>
    %dma_wait3A_191 = arith.constant 0 : i32
    %dma_wait3A_192 = arith.constant 0 : i32
    %dma_wait3A_193 = tpu.memref_slice %arg5[%dma_wait3A_191, %dma_wait3A_192] : memref<819200x64xf32, #tpu.memory_space<hbm>> -> memref<200x64xf32, #tpu.memory_space<hbm>>
    tpu.wait_dma2 semaphore(%arg16 : memref<!tpu.dma_semaphore, #tpu.memory_space<semaphore_mem>>) src(%arg7 : memref<200x64xf32, #tpu.memory_space<vmem>>) dst(%dma_wait3A_193 : memref<200x64xf32, #tpu.memory_space<hbm>>)
    %dma_wait3A_194 = arith.constant 0 : i32
    %dma_wait3A_195 = arith.constant 0 : i32
    %dma_wait3A_196 = tpu.memref_slice %arg5[%dma_wait3A_194, %dma_wait3A_195] : memref<819200x64xf32, #tpu.memory_space<hbm>> -> memref<200x64xf32, #tpu.memory_space<hbm>>
    %dma_wait3A_197 = arith.constant 0 : i32
    %dma_wait3A_198 = arith.constant 0 : i32
    %dma_wait3A_199 = tpu.memref_slice %arg5[%dma_wait3A_197, %dma_wait3A_198] : memref<819200x64xf32, #tpu.memory_space<hbm>> -> memref<200x64xf32, #tpu.memory_space<hbm>>
    tpu.wait_dma2 semaphore(%arg17 : memref<!tpu.dma_semaphore, #tpu.memory_space<semaphore_mem>>) src(%arg8 : memref<200x64xf32, #tpu.memory_space<vmem>>) dst(%dma_wait3A_199 : memref<200x64xf32, #tpu.memory_space<hbm>>)
    %dma_wait3A_200 = arith.constant 0 : i32
    %dma_wait3A_201 = arith.constant 0 : i32
    %dma_wait3A_202 = tpu.memref_slice %arg5[%dma_wait3A_200, %dma_wait3A_201] : memref<819200x64xf32, #tpu.memory_space<hbm>> -> memref<200x64xf32, #tpu.memory_space<hbm>>
    %dma_wait3A_203 = arith.constant 0 : i32
    %dma_wait3A_204 = arith.constant 0 : i32
    %dma_wait3A_205 = tpu.memref_slice %arg5[%dma_wait3A_203, %dma_wait3A_204] : memref<819200x64xf32, #tpu.memory_space<hbm>> -> memref<200x64xf32, #tpu.memory_space<hbm>>
    tpu.wait_dma2 semaphore(%arg18 : memref<!tpu.dma_semaphore, #tpu.memory_space<semaphore_mem>>) src(%arg9 : memref<200x64xf32, #tpu.memory_space<vmem>>) dst(%dma_wait3A_205 : memref<200x64xf32, #tpu.memory_space<hbm>>)
    %dma_wait3A_206 = arith.constant 0 : i32
    %dma_wait3A_207 = arith.constant 0 : i32
    %dma_wait3A_208 = tpu.memref_slice %arg5[%dma_wait3A_206, %dma_wait3A_207] : memref<819200x64xf32, #tpu.memory_space<hbm>> -> memref<200x64xf32, #tpu.memory_space<hbm>>
    %dma_wait3A_209 = arith.constant 0 : i32
    %dma_wait3A_210 = arith.constant 0 : i32
    %dma_wait3A_211 = tpu.memref_slice %arg5[%dma_wait3A_209, %dma_wait3A_210] : memref<819200x64xf32, #tpu.memory_space<hbm>> -> memref<200x64xf32, #tpu.memory_space<hbm>>
    tpu.wait_dma2 semaphore(%arg19 : memref<!tpu.dma_semaphore, #tpu.memory_space<semaphore_mem>>) src(%arg10 : memref<200x64xf32, #tpu.memory_space<vmem>>) dst(%dma_wait3A_211 : memref<200x64xf32, #tpu.memory_space<hbm>>)
    return
  }
}

</mosaic_0001>

<sc_bundles>
// kernel: kernel.3.cloned.1.call-start
scs
__scs_entry_jumppad:
0x0: {  	(pc) =	sbr.rel $0x88, $3  }
0x1: {  	(tag) =	ssettag $0x0;
	lr =	simm.s32 $0x1  }
0x2: {  	[smem:$0x3F9E] =	sst lr;
	_ =	strace $0xD0000000  }
0x3: {  	_ = 	snop  }
0x4: {  	_ = 	snop  }
0x5: {  	_ = 	snop  }
0x6: {  	_ = 	snop  }
0x7: {  	_ = 	snop  }
__scs_overlays_trampoline_lowered:
0x8: {  	[smem:$0x3FAD] =	sst s0  }
0x9: {  	[smem:$0x3FAE] =	sst s1  }
0xa: {  	[smem:$0x3FAF] =	sst s2  }
0xb: {  	[smem:$0x3FB0] =	sst s3  }
0xc: {  	[smem:$0x3FB1] =	sst s4  }
0xd: {  	[smem:$0x3FB2] =	sst s5  }
0xe: {  	[smem:$0x3FB3] =	sst s6  }
0xf: {  	[smem:$0x3FB4] =	sst s7  }
0x10: {  	[smem:$0x3FB5] =	sst s8  }
0x11: {  	[smem:$0x3FB6] =	sst s9;
	s0 =	simm.s32 @!p0 $0x0  }
0x12: {  	s1 =	sld [smem:$0x3F9C];
	s0 =	simm.s32 @p0 $0x1  }
0x13: {  	[smem:$0x3FB7] =	sst s0;
	s0 =	simm.s32 @!p1 $0x0  }
0x14: {  	s2 =	sld [smem:$0x3F9B];
	s0 =	simm.s32 @p1 $0x1  }
0x15: {  	[smem:$0x3FB8] =	sst s0;
	s0 =	simm.s32 @!p2 $0x0  }
0x16: {  	s3 =	sld [smem:$0x3FDB];
	s0 =	simm.s32 @p2 $0x1  }
0x17: {  	s4 =	simm.s32 $0x1BF5;
	[smem:$0x3FBA] =	sst s0  }
0x18: {  	s0 =	sld [smem:$0x3F9D];
	_ =	swait.ge [sflag:s4], $0x0  }
0x19: {  	s7 =	sld [smem:$0x3F9E]  }
0x1a: {  	s8 =	sadd.s32 $0xFFFFE003, lr  }
0x1b: {  	s9 =	sadd.s32 $0xFFFFFEF7, lr;
	s5 =	simm.s32 $0xFFFFFFFF;
	p2 =	slt.u32 s8, $0xFFFFF086  }
0x1c: {  	p1 =	slt.u32 s9, $0xF7A;
	s5 =	simm.s32 @!p2 $0x0  }
0x1d: {  	s5 =	simm.s32 @p1 $0x1;
	p0 =	seq.s32 s7, s2  }
0x1e: {  	s7 =	smul.u32 @!p0 $0xF7A, s2;
	p2 =	seq.s32 @!p0 s5, $0x0  }
0x1f: {  	s9 =	smul.u32 $0xF7A, s1;
	s8 =	simm.s32 @!p0 $0x1BF5;
	p2 =	por !p2, p0  }
0x20: {  	[sflag:s8] =	ssyncset.s32 @!p0 $0xFFFFF086;
	s6 =	sadd.s32 @!p0 s3, s7;
	s7 =	simm.s32 @!p0 $0x108  }
0x21: {  	s3 =	sadd.s32 s3, s9;
	s6 =	sadd.s32 @!p0 $0x88, s6;
	s7 =	simm.s32 @p2 $0x1082  }
0x22: {  	[simem:s7], [sflag:s8] =	dma.local @!p0 [hbm:s6], $0xF7A  }
0x23: {  	s9 =	sor.u32 $0xD0000000, s2;
	s6 =	simm.s32 $0x108;
	_ =	swait.ge @!p0 [sflag:s8], $0x0  }
0x24: {  	s3 =	sadd.s32 $0x88, s3;
	s6 =	simm.s32 @!p1 $0x1082;
	[sflag:s4] =	ssyncset.s32 $0xFFFFF086  }
0x25: {  	[simem:s6], [sflag:s4] =	dma.local [hbm:s3], $0xF7A  }
0x26: {  	[smem:$0x3F9E] =	sst s1;
	(tag) =	ssettag s2;
	_ =	strace s9  }
0x27: {  	s1 =	sld [smem:$0x3FAE]  }
0x28: {  	s2 =	sld [smem:$0x3FAF]  }
0x29: {  	s4 =	sld [smem:$0x3FB1]  }
0x2a: {  	p0 =	seq.s32 s5, $0x0;
	s5 =	sld [smem:$0x3FB2]  }
0x2b: {  	s6 =	sld [smem:$0x3FB3]  }
0x2c: {  	s7 =	sld [smem:$0x3FB4]  }
0x2d: {  	s3 =	simm.s32 $0x108;
	s8 =	sld [smem:$0x3FB5]  }
0x2e: {  	s3 =	simm.s32 @!p0 $0x1082;
	s9 =	sld [smem:$0x3FB6]  }
0x2f: {  	lr =	sadd.s32 s0, s3;
	s0 =	sld [smem:$0x3FAD]  }
0x30: {  	s3 =	sld [smem:$0x3FB0]  }
0x31: {  	[smem:$0x3FB9] =	sst s10  }
0x32: {  	s10 =	sld [smem:$0x3FB7];
	_ =	sdelay $0x3  }
0x33: {  	p0 =	seq.s32 s10, $0x1;
	s10 =	sld [smem:$0x3FB9];
	_ =	sdelay $0x3  }
0x34: {  	[smem:$0x3FB9] =	sst s10  }
0x35: {  	s10 =	sld [smem:$0x3FB8];
	_ =	sdelay $0x3  }
0x36: {  	p1 =	seq.s32 s10, $0x1;
	s10 =	sld [smem:$0x3FB9];
	_ =	sdelay $0x3  }
0x37: {  	[smem:$0x3FB9] =	sst s10  }
0x38: {  	s10 =	sld [smem:$0x3FBA]  }
0x39: {  	_ = 	snop;
	(pc) =	sbr.ind lr, $3  }
0x3a: {  	_ = 	snop  }
0x3b: {  	_ = 	snop  }
0x3c: {  	p2 =	seq.s32 s10, $0x1;
	s10 =	sld [smem:$0x3FB9]  }
0x3d: {  	_ =	shalt  }
0x3e: {  	_ =	shalt  }
0x3f: {  	_ =	shalt  }
0x40: {  	_ =	shalt  }
0x41: {  	_ =	shalt  }
0x42: {  	_ =	shalt  }
0x43: {  	_ =	shalt  }
0x44: {  	_ =	shalt  }
0x45: {  	_ =	shalt  }
0x46: {  	_ =	shalt  }
0x47: {  	_ =	shalt  }
0x48: {  	_ =	shalt  }
0x49: {  	_ =	shalt  }
0x4a: {  	_ =	shalt  }
0x4b: {  	_ =	shalt  }
0x4c: {  	_ =	shalt  }
0x4d: {  	_ =	shalt  }
0x4e: {  	_ =	shalt  }
0x4f: {  	_ =	shalt  }
0x50: {  	_ =	shalt  }
0x51: {  	_ =	shalt  }
0x52: {  	_ =	shalt  }
0x53: {  	_ =	shalt  }
0x54: {  	_ =	shalt  }
0x55: {  	_ =	shalt  }
0x56: {  	_ =	shalt  }
0x57: {  	_ =	shalt  }
0x58: {  	_ =	shalt  }
0x59: {  	_ =	shalt  }
0x5a: {  	_ =	shalt  }
0x5b: {  	_ =	shalt  }
0x5c: {  	_ =	shalt  }
0x5d: {  	_ =	shalt  }
0x5e: {  	_ =	shalt  }
0x5f: {  	_ =	shalt  }
0x60: {  	_ =	shalt  }
0x61: {  	_ =	shalt  }
0x62: {  	_ =	shalt  }
0x63: {  	_ =	shalt  }
0x64: {  	_ =	shalt  }
0x65: {  	_ =	shalt  }
0x66: {  	_ =	shalt  }
0x67: {  	_ =	shalt  }
0x68: {  	_ =	shalt  }
0x69: {  	_ =	shalt  }
0x6a: {  	_ =	shalt  }
0x6b: {  	_ =	shalt  }
0x6c: {  	_ =	shalt  }
0x6d: {  	_ =	shalt  }
0x6e: {  	_ =	shalt  }
0x6f: {  	_ =	shalt  }
0x70: {  	_ =	shalt  }
0x71: {  	_ =	shalt  }
0x72: {  	_ =	shalt  }
0x73: {  	_ =	shalt  }
0x74: {  	_ =	shalt  }
0x75: {  	_ =	shalt  }
0x76: {  	_ =	shalt  }
0x77: {  	_ =	shalt  }
0x78: {  	_ =	shalt  }
0x79: {  	_ =	shalt  }
0x7a: {  	_ =	shalt  }
0x7b: {  	_ =	shalt  }
0x7c: {  	_ =	shalt  }
0x7d: {  	_ =	shalt  }
0x7e: {  	_ =	shalt  }
0x7f: {  	_ =	shalt  }
0x80: {  	_ =	shalt  }
0x81: {  	_ =	shalt  }
0x82: {  	_ =	shalt  }
0x83: {  	_ =	shalt  }
0x84: {  	_ =	shalt  }
0x85: {  	_ =	shalt  }
0x86: {  	_ =	shalt  }
0x87: {  	_ =	shalt  }
.Lfunc_end0:
.L_simem_size_0:
called_computation.1_lowered:
.L_overlay_start_0:
0x88: {  	s2 =	sld [smem:$0x3FD9]  }
0x89: {  	s3 =	sld [smem:$0x3FFE];
	_ =	sdelay $0x1  }
0x8a: {  	s1 =	srdreg.scid  }
0x8b: {  	s0 =	sand.u32 $0x1, s1  }
0x8c: {  	s17 =	sshll.u32 s0, $0xA;
	s2 =	sadd.s32 s3, s2  }
0x8d: {  	s2 =	sadd.s32 s2, s17  }
0x8e: {  	[smem:$0x3FC5] =	sst s2  }
0x8f: {  	_ = 	snop  }
0x90: {  	s2 =	sld [smem:$0x3FD0];
	(tm) =	ssettm $0x1  }
0x91: {  	s18 =	sld [smem:$0x3FFB];
	_ =	sdelay $0x3  }
0x92: {  	_ =	strace s18  }
0x93: {  	s3 =	sld [smem:$0x3FFC];
	_ =	sdelay $0x3  }
0x94: {  	_ =	strace s3  }
0x95: {  	s3 =	sld [smem:$0x3FFD];
	_ =	sdelay $0x3  }
0x96: {  	_ =	strace s3  }
0x97: {  	_ =	strace $0x8FFFFFFF  }
0x98: {  	s19 =	sld [smem:$0x3FDB];
	_ =	sdelay $0x1  }
0x99: {  	s4 =	simm.s32 $_scs_section_size  }
0x9a: {  	s5 =	simm.s32 $_size__tile_overlayer_lowered;
	s6 =	simm.s32 $_tile_overlayer_lowered  }
0x9b: {  	s22 =	simm.s32 $0x1BFF;
	s21 =	sshll.u32 s6, $0x1;
	s3 =	sadd.s32 s4, s19  }
0x9c: {  	s7 =	simm.s32 $0x0;
	s20 =	sshll.u32 s5, $0x1;
	s5 =	sadd.s32 s21, s3  }
0x9d: {  	[timem:s7], [sflag:s22] =	dma.local [hbm:s5], s20  }
0x9e: {  	_ =	swait.ge [sflag:s22], s20  }
0x9f: {  	s4 =	ssub.s32 $0x0, s20;
	[sflag:s22] =	ssyncset.done $0x0  }
0xa0: {  	[sflag:s22] =	ssyncadd.s32 s4;
	_ =	sdelay $0x1  }
0xa1: {  	s23 =	simm.s32 $0x1B8B  }
0xa2: {  	_ =	swait.ge [sflag:s23], $0x1  }
0xa3: {  	[sflag:s23] =	ssyncset.done $0x0  }
0xa4: {  	s25 =	simm.s32 $0x1B8E;
	s24 =	sld [smem:$0x3FFE];
	[sflag:s23] =	ssyncadd.s32 $0xFFFFFFFF  }
0xa5: {  	s26 =	simm.s32 $execute0_lowered;
	[smem:$0x3FD2] =	sst s25  }
0xa6: {  	s5 =	sshll.u32 s26, $0x1;
	_ =	strace $0x80000046;
	[dreg:$0x1] =	wrdreg $0xFFFFFFFF  }
0xa7: {  	s28 =	simm.s32 $_size_execute0_lowered;
	s3 =	sadd.s32 s3, s5;
	[dreg:$0x0] =	wrdreg $0x0  }
0xa8: {  	s5 =	sshll.u32 s28, $0x1;
	[dreg:$0x2] =	wrdreg s3  }
0xa9: {  	[dreg:$0x3] =	wrdreg s5  }
0xaa: {  	[dreg:$0x4] =	wrdreg $0xC0  }
0xab: {  	_ =	task [dreg:s7], $0x5FFFF  }
0xac: {  	[dreg:$0x1] =	wrdreg $0xFFFFFFFF  }
0xad: {  	[dreg:$0x0] =	wrdreg $0x60  }
0xae: {  	[dreg:$0x2] =	wrdreg s24  }
0xaf: {  	[dreg:$0x3] =	wrdreg s2  }
0xb0: {  	[dreg:$0x4] =	wrdreg $0x9  }
0xb1: {  	_ =	task.clear_ibuf [dreg:s7], $0x5FFFF;
	_ =	strace $0x90000046  }
0xb2: {  	s29 =	simm.s32 $0x9;
	_ =	strace $0x80000048  }
0xb3: {  	_ =	swait.ge [sflag:s29], $0x1  }
0xb4: {  	[sflag:s29] =	ssyncadd.s32 $0xFFFFFFFF  }
0xb5: {  	_ =	strace $0x90000048  }
0xb6: {  	_ =	sfence  }
0xb7: {  	s30 =	sld [smem:$0x0];
	_ =	sdelay $0x2  }
0xb8: {  	s31 =	sshll.u32 s1, $0xD;
	s1 =	sshrl.u32 s1, $0x2  }
0xb9: {  	s3 =	sand.u32 $0x4000, s31;
	s1 =	sadd.s32 s1, s30  }
0xba: {  	s0 =	sor.u32 s3, s0;
	s1 =	sshll.u32 s1, $0x11  }
0xbb: {  	s0 =	sor.u32 s1, s0  }
0xbc: {  	s0 =	sadd.s32 $0x8F2B, s0  }
0xbd: {  	[sflag:s0] =	ssyncadd.remote.s32 $0x1  }
0xbe: {  	_ =	sfence.sel $0xFFFF  }
0xbf: {  	[dreg:$0x0] =	wrdreg $0xFFFFFFFF;
	(pc) =	sbr.abs _section_cstart, $3  }
0xc0: {  	[dreg:$0x1] =	wrdreg $0xFFFFFFFF  }
0xc1: {  	_ =	task.clear_ibuf [dreg:s7], $0x2FFFF;
	_ =	strace $0x9FFFFFFF  }
0xc2: {  	(tm) =	ssettm $0x7FFFFFFF  }
0xc3: {  	_ =	shalt  }
tec
execute0_lowered:
.L_overlay_start_1:
0x0: {  	(tag) =	ssettag $0x1  }
0x1: {  	s0 =	srdreg.scid  }
0x2: {  	s1 =	stileid.u32;
	s6 =	rddreg [dreg:$0x0]  }
0x3: {  	s2 =	rddreg [dreg:$0x1];
	s0 =	sand.u32 $0x1, s0;
	s1 =	sshll.u32 s1, $0x1  }
0x4: {  	s4 =	simm.s32 $0x0;
	s28 =	simm.s32 $0x2;
	s1 =	sor.u32 s0, s1  }
0x5: {  	s30 =	simm.s32 $0xFA00;
	s31 =	simm.s32 $0x3;
	s3 =	smul.u32 $0x6400, s1  }
0x6: {  	s29 =	simm.s32 $0x8;
	s0 =	ssub.s32 $0x2, s0;
	s7 =	smul.u32 $0x32000, s1  }
0x7: {  	[smem:$0x7FF] =	sst s4;
	s19 =	sshrl.u32 s0, $0x1;
	s1 =	smul.u32 $0x190000, s1  }
0x8: {  	_ =	strace $0x80000047;
	s0 =	ssub.s32 s0, s19;
	s19 =	simm.s32 $0x9  }
0x9: {  	s5 =	sshrl.u32 s3, $0x3;
	s7 =	sadd.s32 s2, s7;
	s1 =	sshrl.u32 s1, $0x3  }
0xa: {  	s12 =	sor.u32 $0x320, s3;
	s13 =	sor.u32 $0x3E8, s3;
	s18 =	smax.u32 s0, $0x1  }
0xb: {  	s8 =	sadd.s32 s5, s6;
	s5 =	sadd.s32 $0x1A000, s6;
	s6 =	sadd.s32 $0x800, s6  }
0xc: {  	s0 =	simm.s32 $0x7;
	s21 =	sadd.s32 $0x640, s7;
	[dreg:$0x3] =	wrdreg s6  }
0xd: {  	s22 =	sadd.s32 $0xC80, s7;
	s23 =	sadd.s32 $0x12C0, s7;
	[dreg:$0x5] =	wrdreg s21  }
0xe: {  	s1 =	sadd.s32 s2, s1;
	s20 =	sadd.s32 $0x1000, s8;
	[dreg:$0x6] =	wrdreg s22  }
0xf: {  	[dreg:$0x7] =	wrdreg s23;
	s24 =	sadd.s32 $0x30700, s1;
	s25 =	sadd.s32 $0x30D40, s1  }
0x10: {  	s26 =	sadd.s32 $0x31380, s1;
	s17 =	sadd.s32 $0x319C0, s1;
	[dreg:$0x4] =	wrdreg s20  }
0x11: {  	s21 =	simm.s32 $0xC8;
	s22 =	simm.s32 $0x6400;
	[dreg:$0x8] =	wrdreg s24  }
0x12: {  	s23 =	simm.s32 $0x9600;
	s1 =	simm.s32 $0x5;
	[dreg:$0x9] =	wrdreg s25  }
0x13: {  	s6 =	simm.s32 $0x0;
	[dreg:$0xa] =	wrdreg s26;
	s24 =	simm.s32 $0x1  }
0x14: {  	s26 =	simm.s32 $0xC800;
	s20 =	simm.s32 $0x4;
	s25 =	simm.s32 $0x6  }
.LBB2_1:
0x15: {  	s8 =	rddreg [dreg:$0x4]  }
0x16: {  	[tilespmem:s4], [sflag:$0x9] =	stream.linear.gather [hbm4b:s8+s4], $0x6400, $0x38;
	[tilespmem:$0x15E00] =	vst v63  }
0x17: {  	_ =	swait.ge [sflag:s19], $0x6400  }
0x18: {  	[sflag:s19] =	ssyncset.done $0x0  }
0x19: {  	s9 =	simm.s32 $0x12C00;
	s15 =	rddreg [dreg:$0x3];
	[sflag:s19] =	ssyncadd.s32 $0xFFFF9C00  }
0x1a: {  	[tilespmem:s9], [sflag:$0x9] =	stream.linear.gather [hbm4b:s15+s4], $0x3200, $0x38;
	[tilespmem:$0x15E00] =	vst v63  }
0x1b: {  	_ =	swait.ge [sflag:s19], $0x3200  }
0x1c: {  	[sflag:s19] =	ssyncset.done $0x0  }
0x1d: {  	[sflag:s19] =	ssyncadd.s32 $0xFFFFCE00  }
0x1e: {  	[tilespmem:s22], [sflag:$0x1] =	stream.indirect.gather [hbm4b:s5+s21], $0x40, s4, s21, $0xb8;
	[tilespmem:$0x15E00] =	vst v63  }
0x1f: {  	_ = 	snop  }
0x20: {  	[tilespmem:s23], [sflag:$0x2] =	stream.indirect.gather [hbm4b:s5+s21], $0x40, s21, s21, $0xb8;
	[tilespmem:$0x15E00] =	vst v63  }
0x21: {  	_ =	swait.ge [sflag:s24], $0x3200  }
0x22: {  	[sflag:s24] =	ssyncset.done $0x0  }
0x23: {  	s16 =	simm.s32 $0x190;
	s8 =	simm.s32 $0x0;
	[sflag:s24] =	ssyncadd.s32 $0xFFFFCE00  }
0x24: {  	[tilespmem:s26], [sflag:$0x3] =	stream.indirect.gather [hbm4b:s5+s21], $0x40, s16, s21, $0xb8;
	[tilespmem:$0x15E00] =	vst v63  }
0x25: {  	v0 =	vld [tilespmem:s8+$0x12CF0]  }
0x26: {  	v1 =	vld [tilespmem:s8+$0x12C00]  }
0x27: {  	v2 =	vld [tilespmem:s8+$0x12C10]  }
0x28: {  	v3 =	vld [tilespmem:s8+$0x12C20]  }
0x29: {  	v4 =	vld [tilespmem:s8+$0x12C30]  }
0x2a: {  	v5 =	vld [tilespmem:s8+$0x12C40]  }
0x2b: {  	v6 =	vld [tilespmem:s8+$0x12C50]  }
0x2c: {  	v7 =	vld [tilespmem:s8+$0x12C60]  }
0x2d: {  	v8 =	vld [tilespmem:s8+$0x12C70]  }
0x2e: {  	v9 =	vld [tilespmem:s8+$0x12C80]  }
0x2f: {  	v10 =	vld [tilespmem:s8+$0x12C90]  }
0x30: {  	v11 =	vld [tilespmem:s8+$0x12CA0]  }
0x31: {  	v12 =	vld [tilespmem:s8+$0x12CB0]  }
0x32: {  	v13 =	vld [tilespmem:s8+$0x12CC0]  }
0x33: {  	v14 =	vld [tilespmem:s8+$0x12CD0]  }
0x34: {  	[tilespmem:s8+$0x64F0] =	vst.add.f32.msk $0xffff, v0  }
0x35: {  	v0 =	vld [tilespmem:s8+$0x12CE0]  }
0x36: {  	[tilespmem:s8+$0x6400] =	vst.add.f32.msk $0xffff, v1  }
0x37: {  	[tilespmem:s8+$0x6410] =	vst.add.f32.msk $0xffff, v2  }
0x38: {  	[tilespmem:s8+$0x6420] =	vst.add.f32.msk $0xffff, v3  }
0x39: {  	[tilespmem:s8+$0x6430] =	vst.add.f32.msk $0xffff, v4  }
0x3a: {  	[tilespmem:s8+$0x6440] =	vst.add.f32.msk $0xffff, v5  }
0x3b: {  	[tilespmem:s8+$0x6450] =	vst.add.f32.msk $0xffff, v6  }
0x3c: {  	[tilespmem:s8+$0x6460] =	vst.add.f32.msk $0xffff, v7  }
0x3d: {  	[tilespmem:s8+$0x6470] =	vst.add.f32.msk $0xffff, v8  }
0x3e: {  	[tilespmem:s8+$0x6480] =	vst.add.f32.msk $0xffff, v9  }
0x3f: {  	[tilespmem:s8+$0x6490] =	vst.add.f32.msk $0xffff, v10  }
0x40: {  	[tilespmem:s8+$0x64A0] =	vst.add.f32.msk $0xffff, v11  }
0x41: {  	[tilespmem:s8+$0x64B0] =	vst.add.f32.msk $0xffff, v12  }
0x42: {  	[tilespmem:s8+$0x64C0] =	vst.add.f32.msk $0xffff, v13  }
0x43: {  	s10 =	simm.s32 $0x400;
	s9 =	simm.s32 $0x0;
	[tilespmem:s8+$0x64D0] =	vst.add.f32.msk $0xffff, v14  }
.LBB2_2:
0x44: {  	s9 =	sadd.s32 $0x4, s9;
	[tilespmem:s8+$0x64E0] =	vst.add.f32.msk $0xffff, v0;
	s8 =	sshra.s32 s10, $0x2  }
0x45: {  	v0 =	vld [tilespmem:s8+$0x12CF0];
	p0 =	slt.u32 s9, $0xC4  }
0x46: {  	v1 =	vld [tilespmem:s8+$0x12C00]  }
0x47: {  	v2 =	vld [tilespmem:s8+$0x12C10]  }
0x48: {  	v3 =	vld [tilespmem:s8+$0x12C20]  }
0x49: {  	v4 =	vld [tilespmem:s8+$0x12C30]  }
0x4a: {  	[tilespmem:s8+$0x64F0] =	vst.add.f32.msk $0xffff, v0  }
0x4b: {  	v5 =	vld [tilespmem:s8+$0x12C40]  }
0x4c: {  	v6 =	vld [tilespmem:s8+$0x12C50]  }
0x4d: {  	v7 =	vld [tilespmem:s8+$0x12C60]  }
0x4e: {  	v8 =	vld [tilespmem:s8+$0x12C70]  }
0x4f: {  	v9 =	vld [tilespmem:s8+$0x12C80]  }
0x50: {  	v10 =	vld [tilespmem:s8+$0x12C90]  }
0x51: {  	v11 =	vld [tilespmem:s8+$0x12CA0]  }
0x52: {  	v12 =	vld [tilespmem:s8+$0x12CB0]  }
0x53: {  	v13 =	vld [tilespmem:s8+$0x12CC0]  }
0x54: {  	v14 =	vld [tilespmem:s8+$0x12CD0]  }
0x55: {  	v0 =	vld [tilespmem:s8+$0x12CE0]  }
0x56: {  	[tilespmem:s8+$0x6400] =	vst.add.f32.msk $0xffff, v1  }
0x57: {  	[tilespmem:s8+$0x6410] =	vst.add.f32.msk $0xffff, v2  }
0x58: {  	[tilespmem:s8+$0x6420] =	vst.add.f32.msk $0xffff, v3  }
0x59: {  	[tilespmem:s8+$0x6430] =	vst.add.f32.msk $0xffff, v4  }
0x5a: {  	[tilespmem:s8+$0x6440] =	vst.add.f32.msk $0xffff, v5  }
0x5b: {  	[tilespmem:s8+$0x6450] =	vst.add.f32.msk $0xffff, v6  }
0x5c: {  	[tilespmem:s8+$0x6460] =	vst.add.f32.msk $0xffff, v7  }
0x5d: {  	[tilespmem:s8+$0x6470] =	vst.add.f32.msk $0xffff, v8  }
0x5e: {  	[tilespmem:s8+$0x6480] =	vst.add.f32.msk $0xffff, v9  }
.Ltmp0:
0x5f: {  	[tilespmem:s8+$0x6490] =	vst.add.f32.msk $0xffff, v10;
	(pc) =	sbr.rel @p0 .LBB2_2-.Ltmp0, $4  }
0x60: {  	[tilespmem:s8+$0x64A0] =	vst.add.f32.msk $0xffff, v11  }
0x61: {  	[tilespmem:s8+$0x64B0] =	vst.add.f32.msk $0xffff, v12  }
0x62: {  	[tilespmem:s8+$0x64C0] =	vst.add.f32.msk $0xffff, v13  }
0x63: {  	s10 =	sadd.s32 $0x400, s10;
	[tilespmem:s8+$0x64D0] =	vst.add.f32.msk $0xffff, v14  }
0x64: {  	[tilespmem:s8+$0x64E0] =	vst.add.f32.msk $0xffff, v0;
	s15 =	simm.s32 $0x0  }
0x65: {  	[hbm4b:s7+s15] =	stream.linear.scatter [tilespmem:s22], [sflag:$0x5], $0x3200, $0x38;
	[tilespmem:$0x15E00] =	vst v63  }
0x66: {  	_ =	swait.ge [sflag:s28], $0x3200  }
0x67: {  	[sflag:s28] =	ssyncset.done $0x0  }
0x68: {  	s16 =	simm.s32 $0x258;
	s8 =	simm.s32 $0x0;
	[sflag:s28] =	ssyncadd.s32 $0xFFFFCE00  }
0x69: {  	[tilespmem:s30], [sflag:$0x4] =	stream.indirect.gather [hbm4b:s5+s21], $0x40, s16, s21, $0xb8;
	[tilespmem:$0x15E00] =	vst v63  }
0x6a: {  	v0 =	vld [tilespmem:s8+$0x12CF0]  }
0x6b: {  	v1 =	vld [tilespmem:s8+$0x12C00]  }
0x6c: {  	v2 =	vld [tilespmem:s8+$0x12C10]  }
0x6d: {  	v3 =	vld [tilespmem:s8+$0x12C20]  }
0x6e: {  	v4 =	vld [tilespmem:s8+$0x12C30]  }
0x6f: {  	v5 =	vld [tilespmem:s8+$0x12C40]  }
0x70: {  	v6 =	vld [tilespmem:s8+$0x12C50]  }
0x71: {  	v7 =	vld [tilespmem:s8+$0x12C60]  }
0x72: {  	v8 =	vld [tilespmem:s8+$0x12C70]  }
0x73: {  	v9 =	vld [tilespmem:s8+$0x12C80]  }
0x74: {  	v10 =	vld [tilespmem:s8+$0x12C90]  }
0x75: {  	v11 =	vld [tilespmem:s8+$0x12CA0]  }
0x76: {  	v12 =	vld [tilespmem:s8+$0x12CB0]  }
0x77: {  	v13 =	vld [tilespmem:s8+$0x12CC0]  }
0x78: {  	v14 =	vld [tilespmem:s8+$0x12CD0]  }
0x79: {  	[tilespmem:s8+$0x96F0] =	vst.add.f32.msk $0xffff, v0  }
0x7a: {  	v0 =	vld [tilespmem:s8+$0x12CE0]  }
0x7b: {  	[tilespmem:s8+$0x9600] =	vst.add.f32.msk $0xffff, v1  }
0x7c: {  	[tilespmem:s8+$0x9610] =	vst.add.f32.msk $0xffff, v2  }
0x7d: {  	[tilespmem:s8+$0x9620] =	vst.add.f32.msk $0xffff, v3  }
0x7e: {  	[tilespmem:s8+$0x9630] =	vst.add.f32.msk $0xffff, v4  }
0x7f: {  	[tilespmem:s8+$0x9640] =	vst.add.f32.msk $0xffff, v5  }
0x80: {  	[tilespmem:s8+$0x9650] =	vst.add.f32.msk $0xffff, v6  }
0x81: {  	[tilespmem:s8+$0x9660] =	vst.add.f32.msk $0xffff, v7  }
0x82: {  	[tilespmem:s8+$0x9670] =	vst.add.f32.msk $0xffff, v8  }
0x83: {  	[tilespmem:s8+$0x9680] =	vst.add.f32.msk $0xffff, v9  }
0x84: {  	[tilespmem:s8+$0x9690] =	vst.add.f32.msk $0xffff, v10  }
0x85: {  	[tilespmem:s8+$0x96A0] =	vst.add.f32.msk $0xffff, v11  }
0x86: {  	[tilespmem:s8+$0x96B0] =	vst.add.f32.msk $0xffff, v12  }
0x87: {  	[tilespmem:s8+$0x96C0] =	vst.add.f32.msk $0xffff, v13  }
0x88: {  	s9 =	simm.s32 $0x0;
	s10 =	simm.s32 $0x400;
	[tilespmem:s8+$0x96D0] =	vst.add.f32.msk $0xffff, v14  }
.LBB2_4:
0x89: {  	s9 =	sadd.s32 $0x4, s9;
	[tilespmem:s8+$0x96E0] =	vst.add.f32.msk $0xffff, v0;
	s8 =	sshra.s32 s10, $0x2  }
0x8a: {  	v0 =	vld [tilespmem:s8+$0x12CF0];
	p0 =	slt.u32 s9, $0xC4  }
0x8b: {  	v1 =	vld [tilespmem:s8+$0x12C00]  }
0x8c: {  	v2 =	vld [tilespmem:s8+$0x12C10]  }
0x8d: {  	v3 =	vld [tilespmem:s8+$0x12C20]  }
0x8e: {  	v4 =	vld [tilespmem:s8+$0x12C30]  }
0x8f: {  	[tilespmem:s8+$0x96F0] =	vst.add.f32.msk $0xffff, v0  }
0x90: {  	v5 =	vld [tilespmem:s8+$0x12C40]  }
0x91: {  	v6 =	vld [tilespmem:s8+$0x12C50]  }
0x92: {  	v7 =	vld [tilespmem:s8+$0x12C60]  }
0x93: {  	v8 =	vld [tilespmem:s8+$0x12C70]  }
0x94: {  	v9 =	vld [tilespmem:s8+$0x12C80]  }
0x95: {  	v10 =	vld [tilespmem:s8+$0x12C90]  }
0x96: {  	v11 =	vld [tilespmem:s8+$0x12CA0]  }
0x97: {  	v12 =	vld [tilespmem:s8+$0x12CB0]  }
0x98: {  	v13 =	vld [tilespmem:s8+$0x12CC0]  }
0x99: {  	v14 =	vld [tilespmem:s8+$0x12CD0]  }
0x9a: {  	v0 =	vld [tilespmem:s8+$0x12CE0]  }
0x9b: {  	[tilespmem:s8+$0x9600] =	vst.add.f32.msk $0xffff, v1  }
0x9c: {  	[tilespmem:s8+$0x9610] =	vst.add.f32.msk $0xffff, v2  }
0x9d: {  	[tilespmem:s8+$0x9620] =	vst.add.f32.msk $0xffff, v3  }
0x9e: {  	[tilespmem:s8+$0x9630] =	vst.add.f32.msk $0xffff, v4  }
0x9f: {  	[tilespmem:s8+$0x9640] =	vst.add.f32.msk $0xffff, v5  }
0xa0: {  	[tilespmem:s8+$0x9650] =	vst.add.f32.msk $0xffff, v6  }
0xa1: {  	[tilespmem:s8+$0x9660] =	vst.add.f32.msk $0xffff, v7  }
0xa2: {  	[tilespmem:s8+$0x9670] =	vst.add.f32.msk $0xffff, v8  }
0xa3: {  	[tilespmem:s8+$0x9680] =	vst.add.f32.msk $0xffff, v9  }
.Ltmp1:
0xa4: {  	[tilespmem:s8+$0x9690] =	vst.add.f32.msk $0xffff, v10;
	(pc) =	sbr.rel @p0 .LBB2_4-.Ltmp1, $4  }
0xa5: {  	[tilespmem:s8+$0x96A0] =	vst.add.f32.msk $0xffff, v11  }
0xa6: {  	[tilespmem:s8+$0x96B0] =	vst.add.f32.msk $0xffff, v12  }
0xa7: {  	[tilespmem:s8+$0x96C0] =	vst.add.f32.msk $0xffff, v13  }
0xa8: {  	s10 =	sadd.s32 $0x400, s10;
	[tilespmem:s8+$0x96D0] =	vst.add.f32.msk $0xffff, v14  }
0xa9: {  	[tilespmem:s8+$0x96E0] =	vst.add.f32.msk $0xffff, v0  }
0xaa: {  	s15 =	simm.s32 $0x0;
	s9 =	rddreg [dreg:$0x5]  }
0xab: {  	[hbm4b:s9+s15] =	stream.linear.scatter [tilespmem:s23], [sflag:$0x6], $0x3200, $0x38;
	[tilespmem:$0x15E00] =	vst v63  }
0xac: {  	_ =	swait.ge [sflag:s31], $0x3200  }
0xad: {  	[sflag:s31] =	ssyncset.done $0x0  }
0xae: {  	[sflag:s31] =	ssyncadd.s32 $0xFFFFCE00  }
0xaf: {  	_ =	swait.ge [sflag:s1], $0x3200  }
0xb0: {  	[sflag:s1] =	ssyncset.done $0x0  }
0xb1: {  	s16 =	simm.s32 $0x320;
	s8 =	simm.s32 $0x0;
	[sflag:s1] =	ssyncadd.s32 $0xFFFFCE00  }
0xb2: {  	[tilespmem:s22], [sflag:$0x1] =	stream.indirect.gather [hbm4b:s5+s21], $0x40, s16, s21, $0xb8;
	[tilespmem:$0x15E00] =	vst v63  }
0xb3: {  	v0 =	vld [tilespmem:s8+$0x12CF0]  }
0xb4: {  	v1 =	vld [tilespmem:s8+$0x12C00]  }
0xb5: {  	v2 =	vld [tilespmem:s8+$0x12C10]  }
0xb6: {  	v3 =	vld [tilespmem:s8+$0x12C20]  }
0xb7: {  	v4 =	vld [tilespmem:s8+$0x12C30]  }
0xb8: {  	v5 =	vld [tilespmem:s8+$0x12C40]  }
0xb9: {  	v6 =	vld [tilespmem:s8+$0x12C50]  }
0xba: {  	v7 =	vld [tilespmem:s8+$0x12C60]  }
0xbb: {  	v8 =	vld [tilespmem:s8+$0x12C70]  }
0xbc: {  	v9 =	vld [tilespmem:s8+$0x12C80]  }
0xbd: {  	v10 =	vld [tilespmem:s8+$0x12C90]  }
0xbe: {  	v11 =	vld [tilespmem:s8+$0x12CA0]  }
0xbf: {  	v12 =	vld [tilespmem:s8+$0x12CB0]  }
0xc0: {  	v13 =	vld [tilespmem:s8+$0x12CC0]  }
0xc1: {  	v14 =	vld [tilespmem:s8+$0x12CD0]  }
0xc2: {  	[tilespmem:s8+$0xC8F0] =	vst.add.f32.msk $0xffff, v0  }
0xc3: {  	v0 =	vld [tilespmem:s8+$0x12CE0]  }
0xc4: {  	[tilespmem:s8+$0xC800] =	vst.add.f32.msk $0xffff, v1  }
0xc5: {  	[tilespmem:s8+$0xC810] =	vst.add.f32.msk $0xffff, v2  }
0xc6: {  	[tilespmem:s8+$0xC820] =	vst.add.f32.msk $0xffff, v3  }
0xc7: {  	[tilespmem:s8+$0xC830] =	vst.add.f32.msk $0xffff, v4  }
0xc8: {  	[tilespmem:s8+$0xC840] =	vst.add.f32.msk $0xffff, v5  }
0xc9: {  	[tilespmem:s8+$0xC850] =	vst.add.f32.msk $0xffff, v6  }
0xca: {  	[tilespmem:s8+$0xC860] =	vst.add.f32.msk $0xffff, v7  }
0xcb: {  	[tilespmem:s8+$0xC870] =	vst.add.f32.msk $0xffff, v8  }
0xcc: {  	[tilespmem:s8+$0xC880] =	vst.add.f32.msk $0xffff, v9  }
0xcd: {  	[tilespmem:s8+$0xC890] =	vst.add.f32.msk $0xffff, v10  }
0xce: {  	[tilespmem:s8+$0xC8A0] =	vst.add.f32.msk $0xffff, v11  }
0xcf: {  	[tilespmem:s8+$0xC8B0] =	vst.add.f32.msk $0xffff, v12  }
0xd0: {  	[tilespmem:s8+$0xC8C0] =	vst.add.f32.msk $0xffff, v13  }
0xd1: {  	s10 =	simm.s32 $0x400;
	s9 =	simm.s32 $0x0;
	[tilespmem:s8+$0xC8D0] =	vst.add.f32.msk $0xffff, v14  }
.LBB2_6:
0xd2: {  	s9 =	sadd.s32 $0x4, s9;
	[tilespmem:s8+$0xC8E0] =	vst.add.f32.msk $0xffff, v0;
	s8 =	sshra.s32 s10, $0x2  }
0xd3: {  	v0 =	vld [tilespmem:s8+$0x12CF0];
	p0 =	slt.u32 s9, $0xC4  }
0xd4: {  	v1 =	vld [tilespmem:s8+$0x12C00]  }
0xd5: {  	v2 =	vld [tilespmem:s8+$0x12C10]  }
0xd6: {  	v3 =	vld [tilespmem:s8+$0x12C20]  }
0xd7: {  	v4 =	vld [tilespmem:s8+$0x12C30]  }
0xd8: {  	[tilespmem:s8+$0xC8F0] =	vst.add.f32.msk $0xffff, v0  }
0xd9: {  	v5 =	vld [tilespmem:s8+$0x12C40]  }
0xda: {  	v6 =	vld [tilespmem:s8+$0x12C50]  }
0xdb: {  	v7 =	vld [tilespmem:s8+$0x12C60]  }
0xdc: {  	v8 =	vld [tilespmem:s8+$0x12C70]  }
0xdd: {  	v9 =	vld [tilespmem:s8+$0x12C80]  }
0xde: {  	v10 =	vld [tilespmem:s8+$0x12C90]  }
0xdf: {  	v11 =	vld [tilespmem:s8+$0x12CA0]  }
0xe0: {  	v12 =	vld [tilespmem:s8+$0x12CB0]  }
0xe1: {  	v13 =	vld [tilespmem:s8+$0x12CC0]  }
0xe2: {  	v14 =	vld [tilespmem:s8+$0x12CD0]  }
0xe3: {  	v0 =	vld [tilespmem:s8+$0x12CE0]  }
0xe4: {  	[tilespmem:s8+$0xC800] =	vst.add.f32.msk $0xffff, v1  }
0xe5: {  	[tilespmem:s8+$0xC810] =	vst.add.f32.msk $0xffff, v2  }
0xe6: {  	[tilespmem:s8+$0xC820] =	vst.add.f32.msk $0xffff, v3  }
0xe7: {  	[tilespmem:s8+$0xC830] =	vst.add.f32.msk $0xffff, v4  }
0xe8: {  	[tilespmem:s8+$0xC840] =	vst.add.f32.msk $0xffff, v5  }
0xe9: {  	[tilespmem:s8+$0xC850] =	vst.add.f32.msk $0xffff, v6  }
0xea: {  	[tilespmem:s8+$0xC860] =	vst.add.f32.msk $0xffff, v7  }
0xeb: {  	[tilespmem:s8+$0xC870] =	vst.add.f32.msk $0xffff, v8  }
0xec: {  	[tilespmem:s8+$0xC880] =	vst.add.f32.msk $0xffff, v9  }
.Ltmp2:
0xed: {  	[tilespmem:s8+$0xC890] =	vst.add.f32.msk $0xffff, v10;
	(pc) =	sbr.rel @p0 .LBB2_6-.Ltmp2, $4  }
0xee: {  	[tilespmem:s8+$0xC8A0] =	vst.add.f32.msk $0xffff, v11  }
0xef: {  	[tilespmem:s8+$0xC8B0] =	vst.add.f32.msk $0xffff, v12  }
0xf0: {  	[tilespmem:s8+$0xC8C0] =	vst.add.f32.msk $0xffff, v13  }
0xf1: {  	s10 =	sadd.s32 $0x400, s10;
	[tilespmem:s8+$0xC8D0] =	vst.add.f32.msk $0xffff, v14  }
0xf2: {  	[tilespmem:s8+$0xC8E0] =	vst.add.f32.msk $0xffff, v0  }
0xf3: {  	s15 =	simm.s32 $0x0;
	s9 =	rddreg [dreg:$0x6]  }
0xf4: {  	[hbm4b:s9+s15] =	stream.linear.scatter [tilespmem:s26], [sflag:$0x7], $0x3200, $0x38;
	[tilespmem:$0x15E00] =	vst v63  }
0xf5: {  	_ =	swait.ge [sflag:s20], $0x3200  }
0xf6: {  	[sflag:s20] =	ssyncset.done $0x0  }
0xf7: {  	[sflag:s20] =	ssyncadd.s32 $0xFFFFCE00  }
0xf8: {  	_ =	swait.ge [sflag:s25], $0x3200  }
0xf9: {  	[sflag:s25] =	ssyncset.done $0x0  }
0xfa: {  	s16 =	simm.s32 $0x3E8;
	s8 =	simm.s32 $0x0;
	[sflag:s25] =	ssyncadd.s32 $0xFFFFCE00  }
0xfb: {  	[tilespmem:s23], [sflag:$0x2] =	stream.indirect.gather [hbm4b:s5+s21], $0x40, s16, s21, $0xb8;
	[tilespmem:$0x15E00] =	vst v63  }
0xfc: {  	v0 =	vld [tilespmem:s8+$0x12CF0]  }
0xfd: {  	v1 =	vld [tilespmem:s8+$0x12C00]  }
0xfe: {  	v2 =	vld [tilespmem:s8+$0x12C10]  }
0xff: {  	v3 =	vld [tilespmem:s8+$0x12C20]  }
0x100: {  	v4 =	vld [tilespmem:s8+$0x12C30]  }
0x101: {  	v5 =	vld [tilespmem:s8+$0x12C40]  }
0x102: {  	v6 =	vld [tilespmem:s8+$0x12C50]  }
0x103: {  	v7 =	vld [tilespmem:s8+$0x12C60]  }
0x104: {  	v8 =	vld [tilespmem:s8+$0x12C70]  }
0x105: {  	v9 =	vld [tilespmem:s8+$0x12C80]  }
0x106: {  	v10 =	vld [tilespmem:s8+$0x12C90]  }
0x107: {  	v11 =	vld [tilespmem:s8+$0x12CA0]  }
0x108: {  	v12 =	vld [tilespmem:s8+$0x12CB0]  }
0x109: {  	v13 =	vld [tilespmem:s8+$0x12CC0]  }
0x10a: {  	v14 =	vld [tilespmem:s8+$0x12CD0]  }
0x10b: {  	[tilespmem:s8+$0xFAF0] =	vst.add.f32.msk $0xffff, v0  }
0x10c: {  	v0 =	vld [tilespmem:s8+$0x12CE0]  }
0x10d: {  	[tilespmem:s8+$0xFA00] =	vst.add.f32.msk $0xffff, v1  }
0x10e: {  	[tilespmem:s8+$0xFA10] =	vst.add.f32.msk $0xffff, v2  }
0x10f: {  	[tilespmem:s8+$0xFA20] =	vst.add.f32.msk $0xffff, v3  }
0x110: {  	[tilespmem:s8+$0xFA30] =	vst.add.f32.msk $0xffff, v4  }
0x111: {  	[tilespmem:s8+$0xFA40] =	vst.add.f32.msk $0xffff, v5  }
0x112: {  	[tilespmem:s8+$0xFA50] =	vst.add.f32.msk $0xffff, v6  }
0x113: {  	[tilespmem:s8+$0xFA60] =	vst.add.f32.msk $0xffff, v7  }
0x114: {  	[tilespmem:s8+$0xFA70] =	vst.add.f32.msk $0xffff, v8  }
0x115: {  	[tilespmem:s8+$0xFA80] =	vst.add.f32.msk $0xffff, v9  }
0x116: {  	[tilespmem:s8+$0xFA90] =	vst.add.f32.msk $0xffff, v10  }
0x117: {  	[tilespmem:s8+$0xFAA0] =	vst.add.f32.msk $0xffff, v11  }
0x118: {  	[tilespmem:s8+$0xFAB0] =	vst.add.f32.msk $0xffff, v12  }
0x119: {  	[tilespmem:s8+$0xFAC0] =	vst.add.f32.msk $0xffff, v13  }
0x11a: {  	s10 =	simm.s32 $0x400;
	s9 =	simm.s32 $0x0;
	[tilespmem:s8+$0xFAD0] =	vst.add.f32.msk $0xffff, v14  }
.LBB2_8:
0x11b: {  	s9 =	sadd.s32 $0x4, s9;
	[tilespmem:s8+$0xFAE0] =	vst.add.f32.msk $0xffff, v0;
	s8 =	sshra.s32 s10, $0x2  }
0x11c: {  	v0 =	vld [tilespmem:s8+$0x12CF0];
	p0 =	slt.u32 s9, $0xC4  }
0x11d: {  	v1 =	vld [tilespmem:s8+$0x12C00]  }
0x11e: {  	v2 =	vld [tilespmem:s8+$0x12C10]  }
0x11f: {  	v3 =	vld [tilespmem:s8+$0x12C20]  }
0x120: {  	v4 =	vld [tilespmem:s8+$0x12C30]  }
0x121: {  	[tilespmem:s8+$0xFAF0] =	vst.add.f32.msk $0xffff, v0  }
0x122: {  	v5 =	vld [tilespmem:s8+$0x12C40]  }
0x123: {  	v6 =	vld [tilespmem:s8+$0x12C50]  }
0x124: {  	v7 =	vld [tilespmem:s8+$0x12C60]  }
0x125: {  	v8 =	vld [tilespmem:s8+$0x12C70]  }
0x126: {  	v9 =	vld [tilespmem:s8+$0x12C80]  }
0x127: {  	v10 =	vld [tilespmem:s8+$0x12C90]  }
0x128: {  	v11 =	vld [tilespmem:s8+$0x12CA0]  }
0x129: {  	v12 =	vld [tilespmem:s8+$0x12CB0]  }
0x12a: {  	v13 =	vld [tilespmem:s8+$0x12CC0]  }
0x12b: {  	v14 =	vld [tilespmem:s8+$0x12CD0]  }
0x12c: {  	v0 =	vld [tilespmem:s8+$0x12CE0]  }
0x12d: {  	[tilespmem:s8+$0xFA00] =	vst.add.f32.msk $0xffff, v1  }
0x12e: {  	[tilespmem:s8+$0xFA10] =	vst.add.f32.msk $0xffff, v2  }
0x12f: {  	[tilespmem:s8+$0xFA20] =	vst.add.f32.msk $0xffff, v3  }
0x130: {  	[tilespmem:s8+$0xFA30] =	vst.add.f32.msk $0xffff, v4  }
0x131: {  	[tilespmem:s8+$0xFA40] =	vst.add.f32.msk $0xffff, v5  }
0x132: {  	[tilespmem:s8+$0xFA50] =	vst.add.f32.msk $0xffff, v6  }
0x133: {  	[tilespmem:s8+$0xFA60] =	vst.add.f32.msk $0xffff, v7  }
0x134: {  	[tilespmem:s8+$0xFA70] =	vst.add.f32.msk $0xffff, v8  }
0x135: {  	[tilespmem:s8+$0xFA80] =	vst.add.f32.msk $0xffff, v9  }
.Ltmp3:
0x136: {  	[tilespmem:s8+$0xFA90] =	vst.add.f32.msk $0xffff, v10;
	(pc) =	sbr.rel @p0 .LBB2_8-.Ltmp3, $4  }
0x137: {  	[tilespmem:s8+$0xFAA0] =	vst.add.f32.msk $0xffff, v11  }
0x138: {  	[tilespmem:s8+$0xFAB0] =	vst.add.f32.msk $0xffff, v12  }
0x139: {  	[tilespmem:s8+$0xFAC0] =	vst.add.f32.msk $0xffff, v13  }
0x13a: {  	s10 =	sadd.s32 $0x400, s10;
	[tilespmem:s8+$0xFAD0] =	vst.add.f32.msk $0xffff, v14  }
0x13b: {  	[tilespmem:s8+$0xFAE0] =	vst.add.f32.msk $0xffff, v0  }
0x13c: {  	s8 =	simm.s32 $0x0;
	s9 =	rddreg [dreg:$0x7]  }
0x13d: {  	[hbm4b:s9+s8] =	stream.linear.scatter [tilespmem:s30], [sflag:$0x8], $0x3200, $0x38;
	[tilespmem:$0x15E00] =	vst v63  }
.LBB2_10:
0x13e: {  	_ =	swait.ge [sflag:s24], $0x3200  }
0x13f: {  	[sflag:s24] =	ssyncset.done $0x0  }
0x140: {  	[sflag:s24] =	ssyncadd.s32 $0xFFFFCE00  }
0x141: {  	s11 =	smul.u32 $0x320, s8;
	_ =	swait.ge [sflag:s0], $0x3200  }
0x142: {  	[sflag:s0] =	ssyncset.done $0x0  }
0x143: {  	s10 =	simm.s32 $0x0;
	s9 =	sadd.s32 $0x4B0, s11;
	[sflag:s0] =	ssyncadd.s32 $0xFFFFCE00  }
0x144: {  	[tilespmem:s26], [sflag:$0x3] =	stream.indirect.gather [hbm4b:s5+s21], $0x40, s9, s21, $0xb8;
	[tilespmem:$0x15E00] =	vst v63  }
0x145: {  	v0 =	vld [tilespmem:s10+$0x12CF0]  }
0x146: {  	v1 =	vld [tilespmem:s10+$0x12C00]  }
0x147: {  	v2 =	vld [tilespmem:s10+$0x12C10]  }
0x148: {  	v3 =	vld [tilespmem:s10+$0x12C20]  }
0x149: {  	v4 =	vld [tilespmem:s10+$0x12C30]  }
0x14a: {  	v5 =	vld [tilespmem:s10+$0x12C40]  }
0x14b: {  	v6 =	vld [tilespmem:s10+$0x12C50]  }
0x14c: {  	v7 =	vld [tilespmem:s10+$0x12C60]  }
0x14d: {  	v8 =	vld [tilespmem:s10+$0x12C70]  }
0x14e: {  	v9 =	vld [tilespmem:s10+$0x12C80]  }
0x14f: {  	v10 =	vld [tilespmem:s10+$0x12C90]  }
0x150: {  	v11 =	vld [tilespmem:s10+$0x12CA0]  }
0x151: {  	v12 =	vld [tilespmem:s10+$0x12CB0]  }
0x152: {  	v13 =	vld [tilespmem:s10+$0x12CC0]  }
0x153: {  	v14 =	vld [tilespmem:s10+$0x12CD0]  }
0x154: {  	[tilespmem:s10+$0x64F0] =	vst.add.f32.msk $0xffff, v0  }
0x155: {  	v0 =	vld [tilespmem:s10+$0x12CE0]  }
0x156: {  	[tilespmem:s10+$0x6400] =	vst.add.f32.msk $0xffff, v1  }
0x157: {  	[tilespmem:s10+$0x6410] =	vst.add.f32.msk $0xffff, v2  }
0x158: {  	[tilespmem:s10+$0x6420] =	vst.add.f32.msk $0xffff, v3  }
0x159: {  	[tilespmem:s10+$0x6430] =	vst.add.f32.msk $0xffff, v4  }
0x15a: {  	[tilespmem:s10+$0x6440] =	vst.add.f32.msk $0xffff, v5  }
0x15b: {  	[tilespmem:s10+$0x6450] =	vst.add.f32.msk $0xffff, v6  }
0x15c: {  	[tilespmem:s10+$0x6460] =	vst.add.f32.msk $0xffff, v7  }
0x15d: {  	[tilespmem:s10+$0x6470] =	vst.add.f32.msk $0xffff, v8  }
0x15e: {  	[tilespmem:s10+$0x6480] =	vst.add.f32.msk $0xffff, v9  }
0x15f: {  	[tilespmem:s10+$0x6490] =	vst.add.f32.msk $0xffff, v10  }
0x160: {  	[tilespmem:s10+$0x64A0] =	vst.add.f32.msk $0xffff, v11  }
0x161: {  	[tilespmem:s10+$0x64B0] =	vst.add.f32.msk $0xffff, v12  }
0x162: {  	[tilespmem:s10+$0x64C0] =	vst.add.f32.msk $0xffff, v13  }
0x163: {  	s14 =	simm.s32 $0x0;
	s15 =	simm.s32 $0x400;
	[tilespmem:s10+$0x64D0] =	vst.add.f32.msk $0xffff, v14  }
.LBB2_11:
0x164: {  	s14 =	sadd.s32 $0x4, s14;
	[tilespmem:s10+$0x64E0] =	vst.add.f32.msk $0xffff, v0;
	s10 =	sshra.s32 s15, $0x2  }
0x165: {  	v0 =	vld [tilespmem:s10+$0x12CF0];
	p0 =	slt.u32 s14, $0xC4  }
0x166: {  	v1 =	vld [tilespmem:s10+$0x12C00]  }
0x167: {  	v2 =	vld [tilespmem:s10+$0x12C10]  }
0x168: {  	v3 =	vld [tilespmem:s10+$0x12C20]  }
0x169: {  	v4 =	vld [tilespmem:s10+$0x12C30]  }
0x16a: {  	[tilespmem:s10+$0x64F0] =	vst.add.f32.msk $0xffff, v0  }
0x16b: {  	v5 =	vld [tilespmem:s10+$0x12C40]  }
0x16c: {  	v6 =	vld [tilespmem:s10+$0x12C50]  }
0x16d: {  	v7 =	vld [tilespmem:s10+$0x12C60]  }
0x16e: {  	v8 =	vld [tilespmem:s10+$0x12C70]  }
0x16f: {  	v9 =	vld [tilespmem:s10+$0x12C80]  }
0x170: {  	v10 =	vld [tilespmem:s10+$0x12C90]  }
0x171: {  	v11 =	vld [tilespmem:s10+$0x12CA0]  }
0x172: {  	v12 =	vld [tilespmem:s10+$0x12CB0]  }
0x173: {  	v13 =	vld [tilespmem:s10+$0x12CC0]  }
0x174: {  	v14 =	vld [tilespmem:s10+$0x12CD0]  }
0x175: {  	v0 =	vld [tilespmem:s10+$0x12CE0]  }
0x176: {  	[tilespmem:s10+$0x6400] =	vst.add.f32.msk $0xffff, v1  }
0x177: {  	[tilespmem:s10+$0x6410] =	vst.add.f32.msk $0xffff, v2  }
0x178: {  	[tilespmem:s10+$0x6420] =	vst.add.f32.msk $0xffff, v3  }
0x179: {  	[tilespmem:s10+$0x6430] =	vst.add.f32.msk $0xffff, v4  }
0x17a: {  	[tilespmem:s10+$0x6440] =	vst.add.f32.msk $0xffff, v5  }
0x17b: {  	[tilespmem:s10+$0x6450] =	vst.add.f32.msk $0xffff, v6  }
0x17c: {  	[tilespmem:s10+$0x6460] =	vst.add.f32.msk $0xffff, v7  }
0x17d: {  	[tilespmem:s10+$0x6470] =	vst.add.f32.msk $0xffff, v8  }
0x17e: {  	[tilespmem:s10+$0x6480] =	vst.add.f32.msk $0xffff, v9  }
.Ltmp4:
0x17f: {  	[tilespmem:s10+$0x6490] =	vst.add.f32.msk $0xffff, v10;
	(pc) =	sbr.rel @p0 .LBB2_11-.Ltmp4, $4  }
0x180: {  	[tilespmem:s10+$0x64A0] =	vst.add.f32.msk $0xffff, v11  }
0x181: {  	[tilespmem:s10+$0x64B0] =	vst.add.f32.msk $0xffff, v12  }
0x182: {  	[tilespmem:s10+$0x64C0] =	vst.add.f32.msk $0xffff, v13  }
0x183: {  	s15 =	sadd.s32 $0x400, s15;
	[tilespmem:s10+$0x64D0] =	vst.add.f32.msk $0xffff, v14  }
0x184: {  	s14 =	sadd.s32 s11, s12  }
0x185: {  	s14 =	sshll.u32 s14, $0x3  }
0x186: {  	s14 =	sand.u32 $0x1FFFFF00, s14  }
0x187: {  	[tilespmem:s10+$0x64E0] =	vst.add.f32.msk $0xffff, v0;
	s16 =	simm.s32 $0x0;
	s15 =	sadd.s32 s2, s14  }
0x188: {  	[hbm4b:s15+s16] =	stream.linear.scatter [tilespmem:s22], [sflag:$0x5], $0x3200, $0x38;
	[tilespmem:$0x15E00] =	vst v63  }
0x189: {  	_ =	swait.ge [sflag:s28], $0x3200  }
0x18a: {  	[sflag:s28] =	ssyncset.done $0x0  }
0x18b: {  	[sflag:s28] =	ssyncadd.s32 $0xFFFFCE00  }
0x18c: {  	_ =	swait.ge [sflag:s29], $0x3200  }
0x18d: {  	[sflag:s29] =	ssyncset.done $0x0  }
0x18e: {  	s10 =	sadd.s32 $0x578, s11;
	s14 =	simm.s32 $0x0;
	[sflag:s29] =	ssyncadd.s32 $0xFFFFCE00  }
0x18f: {  	[tilespmem:s30], [sflag:$0x4] =	stream.indirect.gather [hbm4b:s5+s21], $0x40, s10, s21, $0xb8;
	[tilespmem:$0x15E00] =	vst v63  }
0x190: {  	v0 =	vld [tilespmem:s14+$0x12CF0]  }
0x191: {  	v1 =	vld [tilespmem:s14+$0x12C00]  }
0x192: {  	v2 =	vld [tilespmem:s14+$0x12C10]  }
0x193: {  	v3 =	vld [tilespmem:s14+$0x12C20]  }
0x194: {  	v4 =	vld [tilespmem:s14+$0x12C30]  }
0x195: {  	v5 =	vld [tilespmem:s14+$0x12C40]  }
0x196: {  	v6 =	vld [tilespmem:s14+$0x12C50]  }
0x197: {  	v7 =	vld [tilespmem:s14+$0x12C60]  }
0x198: {  	v8 =	vld [tilespmem:s14+$0x12C70]  }
0x199: {  	v9 =	vld [tilespmem:s14+$0x12C80]  }
0x19a: {  	v10 =	vld [tilespmem:s14+$0x12C90]  }
0x19b: {  	v11 =	vld [tilespmem:s14+$0x12CA0]  }
0x19c: {  	v12 =	vld [tilespmem:s14+$0x12CB0]  }
0x19d: {  	v13 =	vld [tilespmem:s14+$0x12CC0]  }
0x19e: {  	v14 =	vld [tilespmem:s14+$0x12CD0]  }
0x19f: {  	[tilespmem:s14+$0x96F0] =	vst.add.f32.msk $0xffff, v0  }
0x1a0: {  	v0 =	vld [tilespmem:s14+$0x12CE0]  }
0x1a1: {  	[tilespmem:s14+$0x9600] =	vst.add.f32.msk $0xffff, v1  }
0x1a2: {  	[tilespmem:s14+$0x9610] =	vst.add.f32.msk $0xffff, v2  }
0x1a3: {  	[tilespmem:s14+$0x9620] =	vst.add.f32.msk $0xffff, v3  }
0x1a4: {  	[tilespmem:s14+$0x9630] =	vst.add.f32.msk $0xffff, v4  }
0x1a5: {  	[tilespmem:s14+$0x9640] =	vst.add.f32.msk $0xffff, v5  }
0x1a6: {  	[tilespmem:s14+$0x9650] =	vst.add.f32.msk $0xffff, v6  }
0x1a7: {  	[tilespmem:s14+$0x9660] =	vst.add.f32.msk $0xffff, v7  }
0x1a8: {  	[tilespmem:s14+$0x9670] =	vst.add.f32.msk $0xffff, v8  }
0x1a9: {  	[tilespmem:s14+$0x9680] =	vst.add.f32.msk $0xffff, v9  }
0x1aa: {  	[tilespmem:s14+$0x9690] =	vst.add.f32.msk $0xffff, v10  }
0x1ab: {  	[tilespmem:s14+$0x96A0] =	vst.add.f32.msk $0xffff, v11  }
0x1ac: {  	[tilespmem:s14+$0x96B0] =	vst.add.f32.msk $0xffff, v12  }
0x1ad: {  	[tilespmem:s14+$0x96C0] =	vst.add.f32.msk $0xffff, v13  }
0x1ae: {  	s15 =	simm.s32 $0x0;
	s16 =	simm.s32 $0x400;
	[tilespmem:s14+$0x96D0] =	vst.add.f32.msk $0xffff, v14  }
.LBB2_13:
0x1af: {  	s15 =	sadd.s32 $0x4, s15;
	[tilespmem:s14+$0x96E0] =	vst.add.f32.msk $0xffff, v0;
	s14 =	sshra.s32 s16, $0x2  }
0x1b0: {  	v0 =	vld [tilespmem:s14+$0x12CF0];
	p0 =	slt.u32 s15, $0xC4  }
0x1b1: {  	v1 =	vld [tilespmem:s14+$0x12C00]  }
0x1b2: {  	v2 =	vld [tilespmem:s14+$0x12C10]  }
0x1b3: {  	v3 =	vld [tilespmem:s14+$0x12C20]  }
0x1b4: {  	v4 =	vld [tilespmem:s14+$0x12C30]  }
0x1b5: {  	[tilespmem:s14+$0x96F0] =	vst.add.f32.msk $0xffff, v0  }
0x1b6: {  	v5 =	vld [tilespmem:s14+$0x12C40]  }
0x1b7: {  	v6 =	vld [tilespmem:s14+$0x12C50]  }
0x1b8: {  	v7 =	vld [tilespmem:s14+$0x12C60]  }
0x1b9: {  	v8 =	vld [tilespmem:s14+$0x12C70]  }
0x1ba: {  	v9 =	vld [tilespmem:s14+$0x12C80]  }
0x1bb: {  	v10 =	vld [tilespmem:s14+$0x12C90]  }
0x1bc: {  	v11 =	vld [tilespmem:s14+$0x12CA0]  }
0x1bd: {  	v12 =	vld [tilespmem:s14+$0x12CB0]  }
0x1be: {  	v13 =	vld [tilespmem:s14+$0x12CC0]  }
0x1bf: {  	v14 =	vld [tilespmem:s14+$0x12CD0]  }
0x1c0: {  	v0 =	vld [tilespmem:s14+$0x12CE0]  }
0x1c1: {  	[tilespmem:s14+$0x9600] =	vst.add.f32.msk $0xffff, v1  }
0x1c2: {  	[tilespmem:s14+$0x9610] =	vst.add.f32.msk $0xffff, v2  }
0x1c3: {  	[tilespmem:s14+$0x9620] =	vst.add.f32.msk $0xffff, v3  }
0x1c4: {  	[tilespmem:s14+$0x9630] =	vst.add.f32.msk $0xffff, v4  }
0x1c5: {  	[tilespmem:s14+$0x9640] =	vst.add.f32.msk $0xffff, v5  }
0x1c6: {  	[tilespmem:s14+$0x9650] =	vst.add.f32.msk $0xffff, v6  }
0x1c7: {  	[tilespmem:s14+$0x9660] =	vst.add.f32.msk $0xffff, v7  }
0x1c8: {  	[tilespmem:s14+$0x9670] =	vst.add.f32.msk $0xffff, v8  }
0x1c9: {  	[tilespmem:s14+$0x9680] =	vst.add.f32.msk $0xffff, v9  }
.Ltmp5:
0x1ca: {  	[tilespmem:s14+$0x9690] =	vst.add.f32.msk $0xffff, v10;
	(pc) =	sbr.rel @p0 .LBB2_13-.Ltmp5, $4  }
0x1cb: {  	[tilespmem:s14+$0x96A0] =	vst.add.f32.msk $0xffff, v11  }
0x1cc: {  	[tilespmem:s14+$0x96B0] =	vst.add.f32.msk $0xffff, v12  }
0x1cd: {  	[tilespmem:s14+$0x96C0] =	vst.add.f32.msk $0xffff, v13  }
0x1ce: {  	s16 =	sadd.s32 $0x400, s16;
	[tilespmem:s14+$0x96D0] =	vst.add.f32.msk $0xffff, v14  }
0x1cf: {  	s11 =	sadd.s32 s11, s13  }
0x1d0: {  	s11 =	sshll.u32 s11, $0x3  }
0x1d1: {  	s11 =	sand.u32 $0x1FFFFF40, s11  }
0x1d2: {  	[tilespmem:s14+$0x96E0] =	vst.add.f32.msk $0xffff, v0;
	s16 =	simm.s32 $0x0;
	s11 =	sadd.s32 s2, s11  }
0x1d3: {  	[hbm4b:s11+s16] =	stream.linear.scatter [tilespmem:s23], [sflag:$0x6], $0x3200, $0x38;
	[tilespmem:$0x15E00] =	vst v63  }
0x1d4: {  	_ =	swait.ge [sflag:s31], $0x3200  }
0x1d5: {  	[sflag:s31] =	ssyncset.done $0x0  }
0x1d6: {  	s15 =	smul.u32 $0xC80, s8;
	[sflag:s31] =	ssyncadd.s32 $0xFFFFCE00  }
0x1d7: {  	_ =	swait.ge [sflag:s1], $0x3200  }
0x1d8: {  	s11 =	sshra.s32 s15, $0x2;
	[sflag:s1] =	ssyncset.done $0x0  }
0x1d9: {  	s14 =	simm.s32 $0x0;
	s16 =	sadd.s32 $0x640, s11;
	[sflag:s1] =	ssyncadd.s32 $0xFFFFCE00  }
0x1da: {  	[tilespmem:s22], [sflag:$0x1] =	stream.indirect.gather [hbm4b:s5+s21], $0x40, s16, s21, $0xb8;
	[tilespmem:$0x15E00] =	vst v63  }
0x1db: {  	v0 =	vld [tilespmem:s14+$0x12CF0]  }
0x1dc: {  	v1 =	vld [tilespmem:s14+$0x12C00]  }
0x1dd: {  	v2 =	vld [tilespmem:s14+$0x12C10]  }
0x1de: {  	v3 =	vld [tilespmem:s14+$0x12C20]  }
0x1df: {  	v4 =	vld [tilespmem:s14+$0x12C30]  }
0x1e0: {  	v5 =	vld [tilespmem:s14+$0x12C40]  }
0x1e1: {  	v6 =	vld [tilespmem:s14+$0x12C50]  }
0x1e2: {  	v7 =	vld [tilespmem:s14+$0x12C60]  }
0x1e3: {  	v8 =	vld [tilespmem:s14+$0x12C70]  }
0x1e4: {  	v9 =	vld [tilespmem:s14+$0x12C80]  }
0x1e5: {  	v10 =	vld [tilespmem:s14+$0x12C90]  }
0x1e6: {  	v11 =	vld [tilespmem:s14+$0x12CA0]  }
0x1e7: {  	v12 =	vld [tilespmem:s14+$0x12CB0]  }
0x1e8: {  	v13 =	vld [tilespmem:s14+$0x12CC0]  }
0x1e9: {  	v14 =	vld [tilespmem:s14+$0x12CD0]  }
0x1ea: {  	[tilespmem:s14+$0xC8F0] =	vst.add.f32.msk $0xffff, v0  }
0x1eb: {  	v0 =	vld [tilespmem:s14+$0x12CE0]  }
0x1ec: {  	[tilespmem:s14+$0xC800] =	vst.add.f32.msk $0xffff, v1  }
0x1ed: {  	[tilespmem:s14+$0xC810] =	vst.add.f32.msk $0xffff, v2  }
0x1ee: {  	[tilespmem:s14+$0xC820] =	vst.add.f32.msk $0xffff, v3  }
0x1ef: {  	[tilespmem:s14+$0xC830] =	vst.add.f32.msk $0xffff, v4  }
0x1f0: {  	[tilespmem:s14+$0xC840] =	vst.add.f32.msk $0xffff, v5  }
0x1f1: {  	[tilespmem:s14+$0xC850] =	vst.add.f32.msk $0xffff, v6  }
0x1f2: {  	[tilespmem:s14+$0xC860] =	vst.add.f32.msk $0xffff, v7  }
0x1f3: {  	[tilespmem:s14+$0xC870] =	vst.add.f32.msk $0xffff, v8  }
0x1f4: {  	[tilespmem:s14+$0xC880] =	vst.add.f32.msk $0xffff, v9  }
0x1f5: {  	[tilespmem:s14+$0xC890] =	vst.add.f32.msk $0xffff, v10  }
0x1f6: {  	[tilespmem:s14+$0xC8A0] =	vst.add.f32.msk $0xffff, v11  }
0x1f7: {  	[tilespmem:s14+$0xC8B0] =	vst.add.f32.msk $0xffff, v12  }
0x1f8: {  	[tilespmem:s14+$0xC8C0] =	vst.add.f32.msk $0xffff, v13  }
0x1f9: {  	s15 =	simm.s32 $0x0;
	s16 =	simm.s32 $0x400;
	[tilespmem:s14+$0xC8D0] =	vst.add.f32.msk $0xffff, v14  }
.LBB2_15:
0x1fa: {  	s15 =	sadd.s32 $0x4, s15;
	[tilespmem:s14+$0xC8E0] =	vst.add.f32.msk $0xffff, v0;
	s14 =	sshra.s32 s16, $0x2  }
0x1fb: {  	v0 =	vld [tilespmem:s14+$0x12CF0];
	p0 =	slt.u32 s15, $0xC4  }
0x1fc: {  	v1 =	vld [tilespmem:s14+$0x12C00]  }
0x1fd: {  	v2 =	vld [tilespmem:s14+$0x12C10]  }
0x1fe: {  	v3 =	vld [tilespmem:s14+$0x12C20]  }
0x1ff: {  	v4 =	vld [tilespmem:s14+$0x12C30]  }
0x200: {  	[tilespmem:s14+$0xC8F0] =	vst.add.f32.msk $0xffff, v0  }
0x201: {  	v5 =	vld [tilespmem:s14+$0x12C40]  }
0x202: {  	v6 =	vld [tilespmem:s14+$0x12C50]  }
0x203: {  	v7 =	vld [tilespmem:s14+$0x12C60]  }
0x204: {  	v8 =	vld [tilespmem:s14+$0x12C70]  }
0x205: {  	v9 =	vld [tilespmem:s14+$0x12C80]  }
0x206: {  	v10 =	vld [tilespmem:s14+$0x12C90]  }
0x207: {  	v11 =	vld [tilespmem:s14+$0x12CA0]  }
0x208: {  	v12 =	vld [tilespmem:s14+$0x12CB0]  }
0x209: {  	v13 =	vld [tilespmem:s14+$0x12CC0]  }
0x20a: {  	v14 =	vld [tilespmem:s14+$0x12CD0]  }
0x20b: {  	v0 =	vld [tilespmem:s14+$0x12CE0]  }
0x20c: {  	[tilespmem:s14+$0xC800] =	vst.add.f32.msk $0xffff, v1  }
0x20d: {  	[tilespmem:s14+$0xC810] =	vst.add.f32.msk $0xffff, v2  }
0x20e: {  	[tilespmem:s14+$0xC820] =	vst.add.f32.msk $0xffff, v3  }
0x20f: {  	[tilespmem:s14+$0xC830] =	vst.add.f32.msk $0xffff, v4  }
0x210: {  	[tilespmem:s14+$0xC840] =	vst.add.f32.msk $0xffff, v5  }
0x211: {  	[tilespmem:s14+$0xC850] =	vst.add.f32.msk $0xffff, v6  }
0x212: {  	[tilespmem:s14+$0xC860] =	vst.add.f32.msk $0xffff, v7  }
0x213: {  	[tilespmem:s14+$0xC870] =	vst.add.f32.msk $0xffff, v8  }
0x214: {  	[tilespmem:s14+$0xC880] =	vst.add.f32.msk $0xffff, v9  }
.Ltmp6:
0x215: {  	[tilespmem:s14+$0xC890] =	vst.add.f32.msk $0xffff, v10;
	(pc) =	sbr.rel @p0 .LBB2_15-.Ltmp6, $4  }
0x216: {  	[tilespmem:s14+$0xC8A0] =	vst.add.f32.msk $0xffff, v11  }
0x217: {  	[tilespmem:s14+$0xC8B0] =	vst.add.f32.msk $0xffff, v12  }
0x218: {  	[tilespmem:s14+$0xC8C0] =	vst.add.f32.msk $0xffff, v13  }
0x219: {  	s16 =	sadd.s32 $0x400, s16;
	[tilespmem:s14+$0xC8D0] =	vst.add.f32.msk $0xffff, v14  }
0x21a: {  	s9 =	sadd.s32 s3, s9  }
0x21b: {  	s9 =	sshll.u32 s9, $0x3  }
0x21c: {  	s9 =	sand.u32 $0x1FFFFF80, s9  }
0x21d: {  	[tilespmem:s14+$0xC8E0] =	vst.add.f32.msk $0xffff, v0;
	s15 =	simm.s32 $0x0;
	s9 =	sadd.s32 s2, s9  }
0x21e: {  	[hbm4b:s9+s15] =	stream.linear.scatter [tilespmem:s26], [sflag:$0x7], $0x3200, $0x38;
	[tilespmem:$0x15E00] =	vst v63  }
0x21f: {  	_ =	swait.ge [sflag:s20], $0x3200  }
0x220: {  	[sflag:s20] =	ssyncset.done $0x0  }
0x221: {  	[sflag:s20] =	ssyncadd.s32 $0xFFFFCE00  }
0x222: {  	_ =	swait.ge [sflag:s25], $0x3200  }
0x223: {  	[sflag:s25] =	ssyncset.done $0x0  }
0x224: {  	s16 =	sadd.s32 $0x708, s11;
	s9 =	simm.s32 $0x0;
	[sflag:s25] =	ssyncadd.s32 $0xFFFFCE00  }
0x225: {  	[tilespmem:s23], [sflag:$0x2] =	stream.indirect.gather [hbm4b:s5+s21], $0x40, s16, s21, $0xb8;
	[tilespmem:$0x15E00] =	vst v63  }
0x226: {  	v0 =	vld [tilespmem:s9+$0x12CF0]  }
0x227: {  	v1 =	vld [tilespmem:s9+$0x12C00]  }
0x228: {  	v2 =	vld [tilespmem:s9+$0x12C10]  }
0x229: {  	v3 =	vld [tilespmem:s9+$0x12C20]  }
0x22a: {  	v4 =	vld [tilespmem:s9+$0x12C30]  }
0x22b: {  	v5 =	vld [tilespmem:s9+$0x12C40]  }
0x22c: {  	v6 =	vld [tilespmem:s9+$0x12C50]  }
0x22d: {  	v7 =	vld [tilespmem:s9+$0x12C60]  }
0x22e: {  	v8 =	vld [tilespmem:s9+$0x12C70]  }
0x22f: {  	v9 =	vld [tilespmem:s9+$0x12C80]  }
0x230: {  	v10 =	vld [tilespmem:s9+$0x12C90]  }
0x231: {  	v11 =	vld [tilespmem:s9+$0x12CA0]  }
0x232: {  	v12 =	vld [tilespmem:s9+$0x12CB0]  }
0x233: {  	v13 =	vld [tilespmem:s9+$0x12CC0]  }
0x234: {  	v14 =	vld [tilespmem:s9+$0x12CD0]  }
0x235: {  	[tilespmem:s9+$0xFAF0] =	vst.add.f32.msk $0xffff, v0  }
0x236: {  	v0 =	vld [tilespmem:s9+$0x12CE0]  }
0x237: {  	[tilespmem:s9+$0xFA00] =	vst.add.f32.msk $0xffff, v1  }
0x238: {  	[tilespmem:s9+$0xFA10] =	vst.add.f32.msk $0xffff, v2  }
0x239: {  	[tilespmem:s9+$0xFA20] =	vst.add.f32.msk $0xffff, v3  }
0x23a: {  	[tilespmem:s9+$0xFA30] =	vst.add.f32.msk $0xffff, v4  }
0x23b: {  	[tilespmem:s9+$0xFA40] =	vst.add.f32.msk $0xffff, v5  }
0x23c: {  	[tilespmem:s9+$0xFA50] =	vst.add.f32.msk $0xffff, v6  }
0x23d: {  	[tilespmem:s9+$0xFA60] =	vst.add.f32.msk $0xffff, v7  }
0x23e: {  	[tilespmem:s9+$0xFA70] =	vst.add.f32.msk $0xffff, v8  }
0x23f: {  	[tilespmem:s9+$0xFA80] =	vst.add.f32.msk $0xffff, v9  }
0x240: {  	[tilespmem:s9+$0xFA90] =	vst.add.f32.msk $0xffff, v10  }
0x241: {  	[tilespmem:s9+$0xFAA0] =	vst.add.f32.msk $0xffff, v11  }
0x242: {  	[tilespmem:s9+$0xFAB0] =	vst.add.f32.msk $0xffff, v12  }
0x243: {  	[tilespmem:s9+$0xFAC0] =	vst.add.f32.msk $0xffff, v13  }
0x244: {  	s11 =	simm.s32 $0x0;
	s14 =	simm.s32 $0x400;
	[tilespmem:s9+$0xFAD0] =	vst.add.f32.msk $0xffff, v14  }
.LBB2_17:
0x245: {  	s11 =	sadd.s32 $0x4, s11;
	[tilespmem:s9+$0xFAE0] =	vst.add.f32.msk $0xffff, v0;
	s9 =	sshra.s32 s14, $0x2  }
0x246: {  	v0 =	vld [tilespmem:s9+$0x12CF0];
	p0 =	slt.u32 s11, $0xC4  }
0x247: {  	v1 =	vld [tilespmem:s9+$0x12C00]  }
0x248: {  	v2 =	vld [tilespmem:s9+$0x12C10]  }
0x249: {  	v3 =	vld [tilespmem:s9+$0x12C20]  }
0x24a: {  	v4 =	vld [tilespmem:s9+$0x12C30]  }
0x24b: {  	[tilespmem:s9+$0xFAF0] =	vst.add.f32.msk $0xffff, v0  }
0x24c: {  	v5 =	vld [tilespmem:s9+$0x12C40]  }
0x24d: {  	v6 =	vld [tilespmem:s9+$0x12C50]  }
0x24e: {  	v7 =	vld [tilespmem:s9+$0x12C60]  }
0x24f: {  	v8 =	vld [tilespmem:s9+$0x12C70]  }
0x250: {  	v9 =	vld [tilespmem:s9+$0x12C80]  }
0x251: {  	v10 =	vld [tilespmem:s9+$0x12C90]  }
0x252: {  	v11 =	vld [tilespmem:s9+$0x12CA0]  }
0x253: {  	v12 =	vld [tilespmem:s9+$0x12CB0]  }
0x254: {  	v13 =	vld [tilespmem:s9+$0x12CC0]  }
0x255: {  	v14 =	vld [tilespmem:s9+$0x12CD0]  }
0x256: {  	v0 =	vld [tilespmem:s9+$0x12CE0]  }
0x257: {  	[tilespmem:s9+$0xFA00] =	vst.add.f32.msk $0xffff, v1  }
0x258: {  	[tilespmem:s9+$0xFA10] =	vst.add.f32.msk $0xffff, v2  }
0x259: {  	[tilespmem:s9+$0xFA20] =	vst.add.f32.msk $0xffff, v3  }
0x25a: {  	[tilespmem:s9+$0xFA30] =	vst.add.f32.msk $0xffff, v4  }
0x25b: {  	[tilespmem:s9+$0xFA40] =	vst.add.f32.msk $0xffff, v5  }
0x25c: {  	[tilespmem:s9+$0xFA50] =	vst.add.f32.msk $0xffff, v6  }
0x25d: {  	[tilespmem:s9+$0xFA60] =	vst.add.f32.msk $0xffff, v7  }
0x25e: {  	[tilespmem:s9+$0xFA70] =	vst.add.f32.msk $0xffff, v8  }
0x25f: {  	[tilespmem:s9+$0xFA80] =	vst.add.f32.msk $0xffff, v9  }
.Ltmp7:
0x260: {  	[tilespmem:s9+$0xFA90] =	vst.add.f32.msk $0xffff, v10;
	(pc) =	sbr.rel @p0 .LBB2_17-.Ltmp7, $4  }
0x261: {  	[tilespmem:s9+$0xFAA0] =	vst.add.f32.msk $0xffff, v11  }
0x262: {  	[tilespmem:s9+$0xFAB0] =	vst.add.f32.msk $0xffff, v12  }
0x263: {  	[tilespmem:s9+$0xFAC0] =	vst.add.f32.msk $0xffff, v13  }
0x264: {  	s14 =	sadd.s32 $0x400, s14;
	[tilespmem:s9+$0xFAD0] =	vst.add.f32.msk $0xffff, v14  }
0x265: {  	s8 =	sadd.s32 $0x1, s8  }
0x266: {  	p0 =	sne.s32 s8, $0x1E  }
.Ltmp8:
0x267: {  	s10 =	sadd.s32 s3, s10;
	(pc) =	sbr.rel @p0 .LBB2_10-.Ltmp8, $4  }
0x268: {  	s10 =	sshll.u32 s10, $0x3  }
0x269: {  	s10 =	sand.u32 $0x1FFFFFC0, s10  }
0x26a: {  	[tilespmem:s9+$0xFAE0] =	vst.add.f32.msk $0xffff, v0;
	s16 =	sadd.s32 s2, s10  }
0x26b: {  	[hbm4b:s16+s4] =	stream.linear.scatter [tilespmem:s30], [sflag:$0x8], $0x3200, $0x38;
	[tilespmem:$0x15E00] =	vst v63  }
0x26c: {  	_ =	swait.ge [sflag:s24], $0x3200  }
0x26d: {  	[sflag:s24] =	ssyncset.done $0x0  }
0x26e: {  	[sflag:s24] =	ssyncadd.s32 $0xFFFFCE00  }
0x26f: {  	_ =	swait.ge [sflag:s0], $0x3200  }
0x270: {  	[sflag:s0] =	ssyncset.done $0x0  }
0x271: {  	s8 =	simm.s32 $0x6270;
	[sflag:s0] =	ssyncadd.s32 $0xFFFFCE00  }
0x272: {  	[tilespmem:s26], [sflag:$0x3] =	stream.indirect.gather [hbm4b:s5+s21], $0x40, s8, s21, $0xb8;
	[tilespmem:$0x15E00] =	vst v63  }
0x273: {  	s8 =	simm.s32 $0x0  }
0x274: {  	v0 =	vld [tilespmem:s8+$0x12CF0]  }
0x275: {  	v1 =	vld [tilespmem:s8+$0x12C00]  }
0x276: {  	v2 =	vld [tilespmem:s8+$0x12C10]  }
0x277: {  	v3 =	vld [tilespmem:s8+$0x12C20]  }
0x278: {  	v4 =	vld [tilespmem:s8+$0x12C30]  }
0x279: {  	v5 =	vld [tilespmem:s8+$0x12C40]  }
0x27a: {  	v6 =	vld [tilespmem:s8+$0x12C50]  }
0x27b: {  	v7 =	vld [tilespmem:s8+$0x12C60]  }
0x27c: {  	v8 =	vld [tilespmem:s8+$0x12C70]  }
0x27d: {  	v9 =	vld [tilespmem:s8+$0x12C80]  }
0x27e: {  	v10 =	vld [tilespmem:s8+$0x12C90]  }
0x27f: {  	v11 =	vld [tilespmem:s8+$0x12CA0]  }
0x280: {  	v12 =	vld [tilespmem:s8+$0x12CB0]  }
0x281: {  	v13 =	vld [tilespmem:s8+$0x12CC0]  }
0x282: {  	v14 =	vld [tilespmem:s8+$0x12CD0]  }
0x283: {  	[tilespmem:s8+$0x64F0] =	vst.add.f32.msk $0xffff, v0  }
0x284: {  	v0 =	vld [tilespmem:s8+$0x12CE0]  }
0x285: {  	[tilespmem:s8+$0x6400] =	vst.add.f32.msk $0xffff, v1  }
0x286: {  	[tilespmem:s8+$0x6410] =	vst.add.f32.msk $0xffff, v2  }
0x287: {  	[tilespmem:s8+$0x6420] =	vst.add.f32.msk $0xffff, v3  }
0x288: {  	[tilespmem:s8+$0x6430] =	vst.add.f32.msk $0xffff, v4  }
0x289: {  	[tilespmem:s8+$0x6440] =	vst.add.f32.msk $0xffff, v5  }
0x28a: {  	[tilespmem:s8+$0x6450] =	vst.add.f32.msk $0xffff, v6  }
0x28b: {  	[tilespmem:s8+$0x6460] =	vst.add.f32.msk $0xffff, v7  }
0x28c: {  	[tilespmem:s8+$0x6470] =	vst.add.f32.msk $0xffff, v8  }
0x28d: {  	[tilespmem:s8+$0x6480] =	vst.add.f32.msk $0xffff, v9  }
0x28e: {  	[tilespmem:s8+$0x6490] =	vst.add.f32.msk $0xffff, v10  }
0x28f: {  	[tilespmem:s8+$0x64A0] =	vst.add.f32.msk $0xffff, v11  }
0x290: {  	[tilespmem:s8+$0x64B0] =	vst.add.f32.msk $0xffff, v12  }
0x291: {  	[tilespmem:s8+$0x64C0] =	vst.add.f32.msk $0xffff, v13  }
0x292: {  	s9 =	simm.s32 $0x0;
	s10 =	simm.s32 $0x400;
	[tilespmem:s8+$0x64D0] =	vst.add.f32.msk $0xffff, v14  }
.LBB2_20:
0x293: {  	s9 =	sadd.s32 $0x4, s9;
	[tilespmem:s8+$0x64E0] =	vst.add.f32.msk $0xffff, v0;
	s8 =	sshra.s32 s10, $0x2  }
0x294: {  	v0 =	vld [tilespmem:s8+$0x12CF0];
	p0 =	slt.u32 s9, $0xC4  }
0x295: {  	v1 =	vld [tilespmem:s8+$0x12C00]  }
0x296: {  	v2 =	vld [tilespmem:s8+$0x12C10]  }
0x297: {  	v3 =	vld [tilespmem:s8+$0x12C20]  }
0x298: {  	v4 =	vld [tilespmem:s8+$0x12C30]  }
0x299: {  	[tilespmem:s8+$0x64F0] =	vst.add.f32.msk $0xffff, v0  }
0x29a: {  	v5 =	vld [tilespmem:s8+$0x12C40]  }
0x29b: {  	v6 =	vld [tilespmem:s8+$0x12C50]  }
0x29c: {  	v7 =	vld [tilespmem:s8+$0x12C60]  }
0x29d: {  	v8 =	vld [tilespmem:s8+$0x12C70]  }
0x29e: {  	v9 =	vld [tilespmem:s8+$0x12C80]  }
0x29f: {  	v10 =	vld [tilespmem:s8+$0x12C90]  }
0x2a0: {  	v11 =	vld [tilespmem:s8+$0x12CA0]  }
0x2a1: {  	v12 =	vld [tilespmem:s8+$0x12CB0]  }
0x2a2: {  	v13 =	vld [tilespmem:s8+$0x12CC0]  }
0x2a3: {  	v14 =	vld [tilespmem:s8+$0x12CD0]  }
0x2a4: {  	v0 =	vld [tilespmem:s8+$0x12CE0]  }
0x2a5: {  	[tilespmem:s8+$0x6400] =	vst.add.f32.msk $0xffff, v1  }
0x2a6: {  	[tilespmem:s8+$0x6410] =	vst.add.f32.msk $0xffff, v2  }
0x2a7: {  	[tilespmem:s8+$0x6420] =	vst.add.f32.msk $0xffff, v3  }
0x2a8: {  	[tilespmem:s8+$0x6430] =	vst.add.f32.msk $0xffff, v4  }
0x2a9: {  	[tilespmem:s8+$0x6440] =	vst.add.f32.msk $0xffff, v5  }
0x2aa: {  	[tilespmem:s8+$0x6450] =	vst.add.f32.msk $0xffff, v6  }
0x2ab: {  	[tilespmem:s8+$0x6460] =	vst.add.f32.msk $0xffff, v7  }
0x2ac: {  	[tilespmem:s8+$0x6470] =	vst.add.f32.msk $0xffff, v8  }
0x2ad: {  	[tilespmem:s8+$0x6480] =	vst.add.f32.msk $0xffff, v9  }
.Ltmp9:
0x2ae: {  	[tilespmem:s8+$0x6490] =	vst.add.f32.msk $0xffff, v10;
	(pc) =	sbr.rel @p0 .LBB2_20-.Ltmp9, $4  }
0x2af: {  	[tilespmem:s8+$0x64A0] =	vst.add.f32.msk $0xffff, v11  }
0x2b0: {  	[tilespmem:s8+$0x64B0] =	vst.add.f32.msk $0xffff, v12  }
0x2b1: {  	[tilespmem:s8+$0x64C0] =	vst.add.f32.msk $0xffff, v13  }
0x2b2: {  	s10 =	sadd.s32 $0x400, s10;
	[tilespmem:s8+$0x64D0] =	vst.add.f32.msk $0xffff, v14  }
0x2b3: {  	[tilespmem:s8+$0x64E0] =	vst.add.f32.msk $0xffff, v0  }
0x2b4: {  	s15 =	simm.s32 $0x0;
	s9 =	rddreg [dreg:$0x8]  }
0x2b5: {  	[hbm4b:s9+s15] =	stream.linear.scatter [tilespmem:s22], [sflag:$0x5], $0x3200, $0x38;
	[tilespmem:$0x15E00] =	vst v63  }
0x2b6: {  	_ =	swait.ge [sflag:s28], $0x3200  }
0x2b7: {  	[sflag:s28] =	ssyncset.done $0x0  }
0x2b8: {  	[sflag:s28] =	ssyncadd.s32 $0xFFFFCE00  }
0x2b9: {  	_ =	swait.ge [sflag:s29], $0x3200  }
0x2ba: {  	[sflag:s29] =	ssyncset.done $0x0  }
0x2bb: {  	s16 =	simm.s32 $0x6338;
	s8 =	simm.s32 $0x0;
	[sflag:s29] =	ssyncadd.s32 $0xFFFFCE00  }
0x2bc: {  	[tilespmem:s30], [sflag:$0x4] =	stream.indirect.gather [hbm4b:s5+s21], $0x40, s16, s21, $0xb8;
	[tilespmem:$0x15E00] =	vst v63  }
0x2bd: {  	v0 =	vld [tilespmem:s8+$0x12CF0]  }
0x2be: {  	v1 =	vld [tilespmem:s8+$0x12C00]  }
0x2bf: {  	v2 =	vld [tilespmem:s8+$0x12C10]  }
0x2c0: {  	v3 =	vld [tilespmem:s8+$0x12C20]  }
0x2c1: {  	v4 =	vld [tilespmem:s8+$0x12C30]  }
0x2c2: {  	v5 =	vld [tilespmem:s8+$0x12C40]  }
0x2c3: {  	v6 =	vld [tilespmem:s8+$0x12C50]  }
0x2c4: {  	v7 =	vld [tilespmem:s8+$0x12C60]  }
0x2c5: {  	v8 =	vld [tilespmem:s8+$0x12C70]  }
0x2c6: {  	v9 =	vld [tilespmem:s8+$0x12C80]  }
0x2c7: {  	v10 =	vld [tilespmem:s8+$0x12C90]  }
0x2c8: {  	v11 =	vld [tilespmem:s8+$0x12CA0]  }
0x2c9: {  	v12 =	vld [tilespmem:s8+$0x12CB0]  }
0x2ca: {  	v13 =	vld [tilespmem:s8+$0x12CC0]  }
0x2cb: {  	v14 =	vld [tilespmem:s8+$0x12CD0]  }
0x2cc: {  	[tilespmem:s8+$0x96F0] =	vst.add.f32.msk $0xffff, v0  }
0x2cd: {  	v0 =	vld [tilespmem:s8+$0x12CE0]  }
0x2ce: {  	[tilespmem:s8+$0x9600] =	vst.add.f32.msk $0xffff, v1  }
0x2cf: {  	[tilespmem:s8+$0x9610] =	vst.add.f32.msk $0xffff, v2  }
0x2d0: {  	[tilespmem:s8+$0x9620] =	vst.add.f32.msk $0xffff, v3  }
0x2d1: {  	[tilespmem:s8+$0x9630] =	vst.add.f32.msk $0xffff, v4  }
0x2d2: {  	[tilespmem:s8+$0x9640] =	vst.add.f32.msk $0xffff, v5  }
0x2d3: {  	[tilespmem:s8+$0x9650] =	vst.add.f32.msk $0xffff, v6  }
0x2d4: {  	[tilespmem:s8+$0x9660] =	vst.add.f32.msk $0xffff, v7  }
0x2d5: {  	[tilespmem:s8+$0x9670] =	vst.add.f32.msk $0xffff, v8  }
0x2d6: {  	[tilespmem:s8+$0x9680] =	vst.add.f32.msk $0xffff, v9  }
0x2d7: {  	[tilespmem:s8+$0x9690] =	vst.add.f32.msk $0xffff, v10  }
0x2d8: {  	[tilespmem:s8+$0x96A0] =	vst.add.f32.msk $0xffff, v11  }
0x2d9: {  	[tilespmem:s8+$0x96B0] =	vst.add.f32.msk $0xffff, v12  }
0x2da: {  	[tilespmem:s8+$0x96C0] =	vst.add.f32.msk $0xffff, v13  }
0x2db: {  	s10 =	simm.s32 $0x400;
	s9 =	simm.s32 $0x0;
	[tilespmem:s8+$0x96D0] =	vst.add.f32.msk $0xffff, v14  }
.LBB2_22:
0x2dc: {  	s9 =	sadd.s32 $0x4, s9;
	[tilespmem:s8+$0x96E0] =	vst.add.f32.msk $0xffff, v0;
	s8 =	sshra.s32 s10, $0x2  }
0x2dd: {  	v0 =	vld [tilespmem:s8+$0x12CF0];
	p0 =	slt.u32 s9, $0xC4  }
0x2de: {  	v1 =	vld [tilespmem:s8+$0x12C00]  }
0x2df: {  	v2 =	vld [tilespmem:s8+$0x12C10]  }
0x2e0: {  	v3 =	vld [tilespmem:s8+$0x12C20]  }
0x2e1: {  	v4 =	vld [tilespmem:s8+$0x12C30]  }
0x2e2: {  	[tilespmem:s8+$0x96F0] =	vst.add.f32.msk $0xffff, v0  }
0x2e3: {  	v5 =	vld [tilespmem:s8+$0x12C40]  }
0x2e4: {  	v6 =	vld [tilespmem:s8+$0x12C50]  }
0x2e5: {  	v7 =	vld [tilespmem:s8+$0x12C60]  }
0x2e6: {  	v8 =	vld [tilespmem:s8+$0x12C70]  }
0x2e7: {  	v9 =	vld [tilespmem:s8+$0x12C80]  }
0x2e8: {  	v10 =	vld [tilespmem:s8+$0x12C90]  }
0x2e9: {  	v11 =	vld [tilespmem:s8+$0x12CA0]  }
0x2ea: {  	v12 =	vld [tilespmem:s8+$0x12CB0]  }
0x2eb: {  	v13 =	vld [tilespmem:s8+$0x12CC0]  }
0x2ec: {  	v14 =	vld [tilespmem:s8+$0x12CD0]  }
0x2ed: {  	v0 =	vld [tilespmem:s8+$0x12CE0]  }
0x2ee: {  	[tilespmem:s8+$0x9600] =	vst.add.f32.msk $0xffff, v1  }
0x2ef: {  	[tilespmem:s8+$0x9610] =	vst.add.f32.msk $0xffff, v2  }
0x2f0: {  	[tilespmem:s8+$0x9620] =	vst.add.f32.msk $0xffff, v3  }
0x2f1: {  	[tilespmem:s8+$0x9630] =	vst.add.f32.msk $0xffff, v4  }
0x2f2: {  	[tilespmem:s8+$0x9640] =	vst.add.f32.msk $0xffff, v5  }
0x2f3: {  	[tilespmem:s8+$0x9650] =	vst.add.f32.msk $0xffff, v6  }
0x2f4: {  	[tilespmem:s8+$0x9660] =	vst.add.f32.msk $0xffff, v7  }
0x2f5: {  	[tilespmem:s8+$0x9670] =	vst.add.f32.msk $0xffff, v8  }
0x2f6: {  	[tilespmem:s8+$0x9680] =	vst.add.f32.msk $0xffff, v9  }
.Ltmp10:
0x2f7: {  	[tilespmem:s8+$0x9690] =	vst.add.f32.msk $0xffff, v10;
	(pc) =	sbr.rel @p0 .LBB2_22-.Ltmp10, $4  }
0x2f8: {  	[tilespmem:s8+$0x96A0] =	vst.add.f32.msk $0xffff, v11  }
0x2f9: {  	[tilespmem:s8+$0x96B0] =	vst.add.f32.msk $0xffff, v12  }
0x2fa: {  	[tilespmem:s8+$0x96C0] =	vst.add.f32.msk $0xffff, v13  }
0x2fb: {  	s10 =	sadd.s32 $0x400, s10;
	[tilespmem:s8+$0x96D0] =	vst.add.f32.msk $0xffff, v14  }
0x2fc: {  	[tilespmem:s8+$0x96E0] =	vst.add.f32.msk $0xffff, v0  }
0x2fd: {  	s16 =	simm.s32 $0x0;
	s9 =	rddreg [dreg:$0x9]  }
0x2fe: {  	[hbm4b:s9+s16] =	stream.linear.scatter [tilespmem:s23], [sflag:$0x6], $0x3200, $0x38;
	[tilespmem:$0x15E00] =	vst v63  }
0x2ff: {  	_ =	swait.ge [sflag:s31], $0x3200  }
0x300: {  	[sflag:s31] =	ssyncset.done $0x0  }
0x301: {  	s8 =	simm.s32 $0x0;
	[sflag:s31] =	ssyncadd.s32 $0xFFFFCE00  }
0x302: {  	v0 =	vld [tilespmem:s8+$0x12CF0]  }
0x303: {  	v1 =	vld [tilespmem:s8+$0x12C00]  }
0x304: {  	v2 =	vld [tilespmem:s8+$0x12C10]  }
0x305: {  	v3 =	vld [tilespmem:s8+$0x12C20]  }
0x306: {  	v4 =	vld [tilespmem:s8+$0x12C30]  }
0x307: {  	v5 =	vld [tilespmem:s8+$0x12C40]  }
0x308: {  	v6 =	vld [tilespmem:s8+$0x12C50]  }
0x309: {  	v7 =	vld [tilespmem:s8+$0x12C60]  }
0x30a: {  	v8 =	vld [tilespmem:s8+$0x12C70]  }
0x30b: {  	v9 =	vld [tilespmem:s8+$0x12C80]  }
0x30c: {  	v10 =	vld [tilespmem:s8+$0x12C90]  }
0x30d: {  	v11 =	vld [tilespmem:s8+$0x12CA0]  }
0x30e: {  	v12 =	vld [tilespmem:s8+$0x12CB0]  }
0x30f: {  	v13 =	vld [tilespmem:s8+$0x12CC0]  }
0x310: {  	v14 =	vld [tilespmem:s8+$0x12CD0]  }
0x311: {  	[tilespmem:s8+$0xC8F0] =	vst.add.f32.msk $0xffff, v0  }
0x312: {  	v0 =	vld [tilespmem:s8+$0x12CE0]  }
0x313: {  	[tilespmem:s8+$0xC800] =	vst.add.f32.msk $0xffff, v1  }
0x314: {  	[tilespmem:s8+$0xC810] =	vst.add.f32.msk $0xffff, v2  }
0x315: {  	[tilespmem:s8+$0xC820] =	vst.add.f32.msk $0xffff, v3  }
0x316: {  	[tilespmem:s8+$0xC830] =	vst.add.f32.msk $0xffff, v4  }
0x317: {  	[tilespmem:s8+$0xC840] =	vst.add.f32.msk $0xffff, v5  }
0x318: {  	[tilespmem:s8+$0xC850] =	vst.add.f32.msk $0xffff, v6  }
0x319: {  	[tilespmem:s8+$0xC860] =	vst.add.f32.msk $0xffff, v7  }
0x31a: {  	[tilespmem:s8+$0xC870] =	vst.add.f32.msk $0xffff, v8  }
0x31b: {  	[tilespmem:s8+$0xC880] =	vst.add.f32.msk $0xffff, v9  }
0x31c: {  	[tilespmem:s8+$0xC890] =	vst.add.f32.msk $0xffff, v10  }
0x31d: {  	[tilespmem:s8+$0xC8A0] =	vst.add.f32.msk $0xffff, v11  }
0x31e: {  	[tilespmem:s8+$0xC8B0] =	vst.add.f32.msk $0xffff, v12  }
0x31f: {  	[tilespmem:s8+$0xC8C0] =	vst.add.f32.msk $0xffff, v13  }
0x320: {  	s10 =	simm.s32 $0x400;
	s9 =	simm.s32 $0x0;
	[tilespmem:s8+$0xC8D0] =	vst.add.f32.msk $0xffff, v14  }
.LBB2_24:
0x321: {  	s9 =	sadd.s32 $0x4, s9;
	[tilespmem:s8+$0xC8E0] =	vst.add.f32.msk $0xffff, v0;
	s8 =	sshra.s32 s10, $0x2  }
0x322: {  	v0 =	vld [tilespmem:s8+$0x12CF0];
	p0 =	slt.u32 s9, $0xC4  }
0x323: {  	v1 =	vld [tilespmem:s8+$0x12C00]  }
0x324: {  	v2 =	vld [tilespmem:s8+$0x12C10]  }
0x325: {  	v3 =	vld [tilespmem:s8+$0x12C20]  }
0x326: {  	v4 =	vld [tilespmem:s8+$0x12C30]  }
0x327: {  	[tilespmem:s8+$0xC8F0] =	vst.add.f32.msk $0xffff, v0  }
0x328: {  	v5 =	vld [tilespmem:s8+$0x12C40]  }
0x329: {  	v6 =	vld [tilespmem:s8+$0x12C50]  }
0x32a: {  	v7 =	vld [tilespmem:s8+$0x12C60]  }
0x32b: {  	v8 =	vld [tilespmem:s8+$0x12C70]  }
0x32c: {  	v9 =	vld [tilespmem:s8+$0x12C80]  }
0x32d: {  	v10 =	vld [tilespmem:s8+$0x12C90]  }
0x32e: {  	v11 =	vld [tilespmem:s8+$0x12CA0]  }
0x32f: {  	v12 =	vld [tilespmem:s8+$0x12CB0]  }
0x330: {  	v13 =	vld [tilespmem:s8+$0x12CC0]  }
0x331: {  	v14 =	vld [tilespmem:s8+$0x12CD0]  }
0x332: {  	v0 =	vld [tilespmem:s8+$0x12CE0]  }
0x333: {  	[tilespmem:s8+$0xC800] =	vst.add.f32.msk $0xffff, v1  }
0x334: {  	[tilespmem:s8+$0xC810] =	vst.add.f32.msk $0xffff, v2  }
0x335: {  	[tilespmem:s8+$0xC820] =	vst.add.f32.msk $0xffff, v3  }
0x336: {  	[tilespmem:s8+$0xC830] =	vst.add.f32.msk $0xffff, v4  }
0x337: {  	[tilespmem:s8+$0xC840] =	vst.add.f32.msk $0xffff, v5  }
0x338: {  	[tilespmem:s8+$0xC850] =	vst.add.f32.msk $0xffff, v6  }
0x339: {  	[tilespmem:s8+$0xC860] =	vst.add.f32.msk $0xffff, v7  }
0x33a: {  	[tilespmem:s8+$0xC870] =	vst.add.f32.msk $0xffff, v8  }
0x33b: {  	[tilespmem:s8+$0xC880] =	vst.add.f32.msk $0xffff, v9  }
.Ltmp11:
0x33c: {  	[tilespmem:s8+$0xC890] =	vst.add.f32.msk $0xffff, v10;
	(pc) =	sbr.rel @p0 .LBB2_24-.Ltmp11, $4  }
0x33d: {  	[tilespmem:s8+$0xC8A0] =	vst.add.f32.msk $0xffff, v11  }
0x33e: {  	[tilespmem:s8+$0xC8B0] =	vst.add.f32.msk $0xffff, v12  }
0x33f: {  	[tilespmem:s8+$0xC8C0] =	vst.add.f32.msk $0xffff, v13  }
0x340: {  	s10 =	sadd.s32 $0x400, s10;
	[tilespmem:s8+$0xC8D0] =	vst.add.f32.msk $0xffff, v14  }
0x341: {  	[tilespmem:s8+$0xC8E0] =	vst.add.f32.msk $0xffff, v0  }
0x342: {  	s16 =	simm.s32 $0x0;
	s9 =	rddreg [dreg:$0xa]  }
0x343: {  	[hbm4b:s9+s16] =	stream.linear.scatter [tilespmem:s26], [sflag:$0x7], $0x3200, $0x38;
	[tilespmem:$0x15E00] =	vst v63  }
0x344: {  	_ =	swait.ge [sflag:s20], $0x3200  }
0x345: {  	[sflag:s20] =	ssyncset.done $0x0  }
0x346: {  	s8 =	simm.s32 $0x0;
	[sflag:s20] =	ssyncadd.s32 $0xFFFFCE00  }
0x347: {  	v0 =	vld [tilespmem:s8+$0x12CF0]  }
0x348: {  	v1 =	vld [tilespmem:s8+$0x12C00]  }
0x349: {  	v2 =	vld [tilespmem:s8+$0x12C10]  }
0x34a: {  	v3 =	vld [tilespmem:s8+$0x12C20]  }
0x34b: {  	v4 =	vld [tilespmem:s8+$0x12C30]  }
0x34c: {  	v5 =	vld [tilespmem:s8+$0x12C40]  }
0x34d: {  	v6 =	vld [tilespmem:s8+$0x12C50]  }
0x34e: {  	v7 =	vld [tilespmem:s8+$0x12C60]  }
0x34f: {  	v8 =	vld [tilespmem:s8+$0x12C70]  }
0x350: {  	v9 =	vld [tilespmem:s8+$0x12C80]  }
0x351: {  	v10 =	vld [tilespmem:s8+$0x12C90]  }
0x352: {  	v11 =	vld [tilespmem:s8+$0x12CA0]  }
0x353: {  	v12 =	vld [tilespmem:s8+$0x12CB0]  }
0x354: {  	v13 =	vld [tilespmem:s8+$0x12CC0]  }
0x355: {  	v14 =	vld [tilespmem:s8+$0x12CD0]  }
0x356: {  	[tilespmem:s8+$0xFAF0] =	vst.add.f32.msk $0xffff, v0  }
0x357: {  	v0 =	vld [tilespmem:s8+$0x12CE0]  }
0x358: {  	[tilespmem:s8+$0xFA00] =	vst.add.f32.msk $0xffff, v1  }
0x359: {  	[tilespmem:s8+$0xFA10] =	vst.add.f32.msk $0xffff, v2  }
0x35a: {  	[tilespmem:s8+$0xFA20] =	vst.add.f32.msk $0xffff, v3  }
0x35b: {  	[tilespmem:s8+$0xFA30] =	vst.add.f32.msk $0xffff, v4  }
0x35c: {  	[tilespmem:s8+$0xFA40] =	vst.add.f32.msk $0xffff, v5  }
0x35d: {  	[tilespmem:s8+$0xFA50] =	vst.add.f32.msk $0xffff, v6  }
0x35e: {  	[tilespmem:s8+$0xFA60] =	vst.add.f32.msk $0xffff, v7  }
0x35f: {  	[tilespmem:s8+$0xFA70] =	vst.add.f32.msk $0xffff, v8  }
0x360: {  	[tilespmem:s8+$0xFA80] =	vst.add.f32.msk $0xffff, v9  }
0x361: {  	[tilespmem:s8+$0xFA90] =	vst.add.f32.msk $0xffff, v10  }
0x362: {  	[tilespmem:s8+$0xFAA0] =	vst.add.f32.msk $0xffff, v11  }
0x363: {  	[tilespmem:s8+$0xFAB0] =	vst.add.f32.msk $0xffff, v12  }
0x364: {  	[tilespmem:s8+$0xFAC0] =	vst.add.f32.msk $0xffff, v13  }
0x365: {  	s10 =	simm.s32 $0x400;
	s9 =	simm.s32 $0x0;
	[tilespmem:s8+$0xFAD0] =	vst.add.f32.msk $0xffff, v14  }
.LBB2_26:
0x366: {  	s9 =	sadd.s32 $0x4, s9;
	[tilespmem:s8+$0xFAE0] =	vst.add.f32.msk $0xffff, v0;
	s8 =	sshra.s32 s10, $0x2  }
0x367: {  	v0 =	vld [tilespmem:s8+$0x12CF0];
	p0 =	slt.u32 s9, $0xC4  }
0x368: {  	v1 =	vld [tilespmem:s8+$0x12C00]  }
0x369: {  	v2 =	vld [tilespmem:s8+$0x12C10]  }
0x36a: {  	v3 =	vld [tilespmem:s8+$0x12C20]  }
0x36b: {  	v4 =	vld [tilespmem:s8+$0x12C30]  }
0x36c: {  	[tilespmem:s8+$0xFAF0] =	vst.add.f32.msk $0xffff, v0  }
0x36d: {  	v5 =	vld [tilespmem:s8+$0x12C40]  }
0x36e: {  	v6 =	vld [tilespmem:s8+$0x12C50]  }
0x36f: {  	v7 =	vld [tilespmem:s8+$0x12C60]  }
0x370: {  	v8 =	vld [tilespmem:s8+$0x12C70]  }
0x371: {  	v9 =	vld [tilespmem:s8+$0x12C80]  }
0x372: {  	v10 =	vld [tilespmem:s8+$0x12C90]  }
0x373: {  	v11 =	vld [tilespmem:s8+$0x12CA0]  }
0x374: {  	v12 =	vld [tilespmem:s8+$0x12CB0]  }
0x375: {  	v13 =	vld [tilespmem:s8+$0x12CC0]  }
0x376: {  	v14 =	vld [tilespmem:s8+$0x12CD0]  }
0x377: {  	v0 =	vld [tilespmem:s8+$0x12CE0]  }
0x378: {  	[tilespmem:s8+$0xFA00] =	vst.add.f32.msk $0xffff, v1  }
0x379: {  	[tilespmem:s8+$0xFA10] =	vst.add.f32.msk $0xffff, v2  }
0x37a: {  	[tilespmem:s8+$0xFA20] =	vst.add.f32.msk $0xffff, v3  }
0x37b: {  	[tilespmem:s8+$0xFA30] =	vst.add.f32.msk $0xffff, v4  }
0x37c: {  	[tilespmem:s8+$0xFA40] =	vst.add.f32.msk $0xffff, v5  }
0x37d: {  	[tilespmem:s8+$0xFA50] =	vst.add.f32.msk $0xffff, v6  }
0x37e: {  	[tilespmem:s8+$0xFA60] =	vst.add.f32.msk $0xffff, v7  }
0x37f: {  	[tilespmem:s8+$0xFA70] =	vst.add.f32.msk $0xffff, v8  }
0x380: {  	[tilespmem:s8+$0xFA80] =	vst.add.f32.msk $0xffff, v9  }
.Ltmp12:
0x381: {  	[tilespmem:s8+$0xFA90] =	vst.add.f32.msk $0xffff, v10;
	(pc) =	sbr.rel @p0 .LBB2_26-.Ltmp12, $4  }
0x382: {  	[tilespmem:s8+$0xFAA0] =	vst.add.f32.msk $0xffff, v11  }
0x383: {  	[tilespmem:s8+$0xFAB0] =	vst.add.f32.msk $0xffff, v12  }
0x384: {  	[tilespmem:s8+$0xFAC0] =	vst.add.f32.msk $0xffff, v13  }
0x385: {  	s10 =	sadd.s32 $0x400, s10;
	[tilespmem:s8+$0xFAD0] =	vst.add.f32.msk $0xffff, v14  }
0x386: {  	[tilespmem:s8+$0xFAE0] =	vst.add.f32.msk $0xffff, v0  }
0x387: {  	[hbm4b:s17+s4] =	stream.linear.scatter [tilespmem:s30], [sflag:$0x8], $0x3200, $0x38;
	[tilespmem:$0x15E00] =	vst v63  }
0x388: {  	_ =	swait.ge [sflag:s1], $0x3200  }
0x389: {  	[sflag:s1] =	ssyncset.done $0x0  }
0x38a: {  	[sflag:s1] =	ssyncadd.s32 $0xFFFFCE00  }
0x38b: {  	_ =	swait.ge [sflag:s25], $0x3200  }
0x38c: {  	[sflag:s25] =	ssyncset.done $0x0  }
0x38d: {  	s6 =	sadd.s32 $0x1, s6;
	[sflag:s25] =	ssyncadd.s32 $0xFFFFCE00  }
0x38e: {  	p0 =	sne.s32 s6, s18;
	_ =	swait.ge [sflag:s0], $0x3200  }
.Ltmp13:
0x38f: {  	[sflag:s0] =	ssyncset.done $0x0;
	(pc) =	sbr.rel @p0 .LBB2_1-.Ltmp13, $4  }
0x390: {  	[sflag:s0] =	ssyncadd.s32 $0xFFFFCE00  }
0x391: {  	_ =	swait.ge [sflag:s29], $0x3200  }
0x392: {  	[sflag:s29] =	ssyncset.done $0x0  }
0x393: {  	[sflag:s29] =	ssyncadd.s32 $0xFFFFCE00  }
0x394: {  	_ =	sfence.sel $0x180000  }
0x395: {  	[bflag:$0x0] =	sbarrier.arrive $0xFFFF  }
0x396: {  	_ =	strace $0x90000047  }
0x397: {  	s0 =	stileid.u32;
	[bflag:$0x2] =	sbarrier.arrive $0xFFFF  }
0x398: {  	p0 =	sne.s32 s0, $0x0;
	s0 =	rddreg [dreg:$0x2]  }
0x399: {  	s0 =	sadd.s32 @!p0 $0x100000, s0  }
0x39a: {  	[sflag:s0] =	ssyncadd.tile.s32 @!p0 $0x1;
	_ =	shalt  }
.Lfunc_end2:
_tile_overlayer_lowered:
.L_overlay_start_2:
0x39b: {  	(tag) =	ssettag $0x2  }
0x39c: {  	s0 =	rddreg [dreg:$0x0];
	s2 =	stileid.u32  }
0x39d: {  	s1 =	rddreg [dreg:$0x1];
	p0 =	sne.s32 s2, $0x0  }
0x39e: {  	s3 =	rddreg [dreg:$0x2];
	[bflag:$0x3] =	sbarrier.arrive $0xFFFF;
	s2 =	simm.s32 @!p0 $0x1C09  }
0x39f: {  	[timem:s3], [sflag:s2] =	dma.local @!p0 [hbm:s0], s1  }
0x3a0: {  	s0 =	simm.s32 @!p0 $0x9  }
0x3a1: {  	_ =	swait.ge @!p0 [sflag:s0], s1  }
0x3a2: {  	s1 =	ssub.s32 @!p0 $0x0, s1;
	[sflag:s0] =	ssyncset.done @!p0 $0x0  }
0x3a3: {  	[sflag:s0] =	ssyncadd.s32 @!p0 s1  }
0x3a4: {  	[bflag:$0x3] =	sbarrier.arrive $0xFFFF  }
0x3a5: {  	_ =	shalt  }

// kernel: sparse-core-data-format-call.cloned.1.call-start
scs
called_computation_lowered:
.L_overlay_start_0:
0x0: {  	s2 =	sld [smem:$0x3FD9]  }
0x1: {  	s3 =	sld [smem:$0x3FFE];
	_ =	sdelay $0x1  }
0x2: {  	s1 =	srdreg.scid  }
0x3: {  	s0 =	sand.u32 $0x1, s1  }
0x4: {  	s18 =	sshll.u32 s0, $0xA;
	s2 =	sadd.s32 s3, s2  }
0x5: {  	s2 =	sadd.s32 s2, s18  }
0x6: {  	[smem:$0x3FC5] =	sst s2  }
0x7: {  	_ = 	snop  }
0x8: {  	s2 =	sld [smem:$0x3FD0];
	(tm) =	ssettm $0x1  }
0x9: {  	s19 =	sld [smem:$0x3FFB];
	_ =	sdelay $0x3  }
0xa: {  	_ =	strace s19  }
0xb: {  	s3 =	sld [smem:$0x3FFC];
	_ =	sdelay $0x3  }
0xc: {  	_ =	strace s3  }
0xd: {  	s3 =	sld [smem:$0x3FFD];
	_ =	sdelay $0x3  }
0xe: {  	_ =	strace s3  }
0xf: {  	_ =	strace $0x8FFFFFFF  }
0x10: {  	s20 =	sld [smem:$0x3FDB];
	_ =	sdelay $0x1  }
0x11: {  	s4 =	simm.s32 $_scs_section_size  }
0x12: {  	s5 =	simm.s32 $_size__tile_overlayer_lowered;
	s6 =	simm.s32 $_tile_overlayer_lowered  }
0x13: {  	s23 =	simm.s32 $0x1BFF;
	s22 =	sshll.u32 s6, $0x1;
	s3 =	sadd.s32 s4, s20  }
0x14: {  	s7 =	simm.s32 $0x0;
	s21 =	sshll.u32 s5, $0x1;
	s5 =	sadd.s32 s22, s3  }
0x15: {  	[timem:s7], [sflag:s23] =	dma.local [hbm:s5], s21  }
0x16: {  	_ =	swait.ge [sflag:s23], s21  }
0x17: {  	s4 =	ssub.s32 $0x0, s21;
	[sflag:s23] =	ssyncset.done $0x0  }
0x18: {  	[sflag:s23] =	ssyncadd.s32 s4;
	_ =	sdelay $0x1  }
0x19: {  	s24 =	simm.s32 $0x1B8B  }
0x1a: {  	_ =	swait.ge [sflag:s24], $0x1  }
0x1b: {  	[sflag:s24] =	ssyncset.done $0x0  }
0x1c: {  	s26 =	simm.s32 $0x1B8E;
	s25 =	sld [smem:$0x3FFE];
	[sflag:s24] =	ssyncadd.s32 $0xFFFFFFFF  }
0x1d: {  	s27 =	simm.s32 $execute0_lowered;
	[smem:$0x3FD2] =	sst s26  }
0x1e: {  	s5 =	sshll.u32 s27, $0x1;
	_ =	strace $0x80000049;
	[dreg:$0x1] =	wrdreg $0xFFFFFFFF  }
0x1f: {  	s28 =	simm.s32 $_size_execute0_lowered;
	s3 =	sadd.s32 s3, s5;
	[dreg:$0x0] =	wrdreg $0x0  }
0x20: {  	s5 =	sshll.u32 s28, $0x1;
	[dreg:$0x2] =	wrdreg s3  }
0x21: {  	[dreg:$0x3] =	wrdreg s5  }
0x22: {  	[dreg:$0x4] =	wrdreg $0xC0  }
0x23: {  	_ =	task [dreg:s7], $0x5FFFF  }
0x24: {  	[dreg:$0x1] =	wrdreg $0xFFFFFFFF  }
0x25: {  	[dreg:$0x0] =	wrdreg $0x60  }
0x26: {  	[dreg:$0x2] =	wrdreg s25  }
0x27: {  	[dreg:$0x3] =	wrdreg s2  }
0x28: {  	[dreg:$0x4] =	wrdreg $0x9  }
0x29: {  	_ =	task.clear_ibuf [dreg:s7], $0x5FFFF;
	_ =	strace $0x90000049  }
0x2a: {  	s29 =	simm.s32 $0x9;
	_ =	strace $0x8000004B  }
0x2b: {  	_ =	swait.ge [sflag:s29], $0x1  }
0x2c: {  	[sflag:s29] =	ssyncadd.s32 $0xFFFFFFFF  }
0x2d: {  	_ =	strace $0x9000004B  }
0x2e: {  	_ =	sfence  }
0x2f: {  	s30 =	sld [smem:$0x0];
	_ =	sdelay $0x2  }
0x30: {  	s31 =	sshll.u32 s1, $0xD;
	s1 =	sshrl.u32 s1, $0x2  }
0x31: {  	s3 =	sand.u32 $0x4000, s31;
	s1 =	sadd.s32 s1, s30  }
0x32: {  	s0 =	sor.u32 s3, s0;
	s1 =	sshll.u32 s1, $0x11  }
0x33: {  	s0 =	sor.u32 s1, s0  }
0x34: {  	s0 =	sadd.s32 $0x8F2B, s0  }
0x35: {  	[sflag:s0] =	ssyncadd.remote.s32 $0x1  }
0x36: {  	_ =	sfence.sel $0xFFFF  }
0x37: {  	[dreg:$0x0] =	wrdreg $0xFFFFFFFF;
	(pc) =	sbr.abs _section_cstart, $3  }
0x38: {  	[dreg:$0x1] =	wrdreg $0xFFFFFFFF  }
0x39: {  	_ =	task.clear_ibuf [dreg:s7], $0x2FFFF;
	_ =	strace $0x9FFFFFFF  }
0x3a: {  	(tm) =	ssettm $0x7FFFFFFF  }
0x3b: {  	_ =	shalt  }
tec
execute0_lowered:
.L_overlay_start_1:
0x0: {  	(tag) =	ssettag $0x1  }
0x1: {  	s0 =	srdreg.scid  }
0x2: {  	s1 =	sshll.u32 s0, $0x4  }
0x3: {  	s0 =	stileid.u32;
	s1 =	sand.u32 $0x10, s1  }
0x4: {  	s1 =	sor.u32 s0, s1  }
0x5: {  	s6 =	rddreg [dreg:$0x0];
	s4 =	simm.s32 $0x1;
	s2 =	sshll.u32 s1, $0x7  }
0x6: {  	s7 =	simm.s32 $0x2;
	s12 =	simm.s32 $0x0;
	s1 =	ssub.s32 $0x1000, s2  }
0x7: {  	s8 =	simm.s32 $0x8000;
	s13 =	simm.s32 $0x0;
	s3 =	sand.u32 $0xF80, s1  }
0x8: {  	s9 =	simm.s32 $0x0;
	s5 =	sshrl.u32 s1, $0xC;
	p0 =	sne.s32 s3, $0x0  }
.Ltmp0:
0x9: {  	s1 =	rddreg [dreg:$0x2];
	s4 =	simm.s32 @!p0 $0x0;
	(pc) =	sbr.rel .LBB1_1-.Ltmp0, $4  }
0xa: {  	s11 =	simm.s32 $0x0;
	s3 =	rddreg [dreg:$0x1];
	s5 =	sadd.s32 s4, s5  }
0xb: {  	_ =	strace $0x8000004A;
	s4 =	simm.s32 $0x1;
	s5 =	smul.u32 $0xC8, s5  }
0xc: {  	s6 =	sadd.s32 $0x800, s6;
	s10 =	smov.u32 s2;
	[sflag:s4] =	ssyncpa.u1 $0x0  }
0xd: {  	p0 =	por $0x0, $0x0;
	[sflag:s7] =	ssyncpa.u1 $0x0;
	s7 =	sor.u32 $0x1, s5  }
.LBB1_4:
0xe: {  	s16 =	sshll.u32 s13, $0x3;
	s17 =	sand.u32 $0x78, s13  }
0xf: {  	s30 =	sand.u32 $0x7E00, s13;
	s12 =	sshll.u32 s12, $0xF;
	s16 =	sand.u32 $0xC00, s16  }
0x10: {  	[tilespmem:s15+$0x810 ss:$0x81] =	vst.msk $0xffff, v2;
	s31 =	sand.u32 $0x7, s13;
	s16 =	sor.u32 s17, s16;
	s17 =	sadd.s32 s3, s30  }
0x11: {  	[tilespmem:s15+$0x1020 ss:$0x81] =	vst.msk $0xffff, v0;
	s13 =	sshll.u32 s31, $0x12;
	s12 =	sadd.s32 s12, s17;
	s16 =	sshrl.u32 s16, $0x3  }
0x12: {  	[tilespmem:s15+$0x0 ss:$0x81] =	vst.msk $0xffff, v1;
	s13 =	sor.u32 $0x400, s13;
	s12 =	sadd.s32 s16, s12  }
0x13: {  	[hbm4b:s12+s13] =	stream.strided.scatter [tilespmem:s14], [sflag:$0x2], $0x2000, s8, s13, $0x20;
	[tilespmem:$0x8080] =	vst v63  }
.LBB1_5:
0x14: {  	s14 =	sadd.s32 $0x1, s9  }
0x15: {  	s12 =	sadd.s32 $0x1000, s10;
	s16 =	smov.u32 s10;
	p2 =	sgt.s32 s14, $0xC7  }
0x16: {  	s16 =	smov.u32 @p2 s12  }
0x17: {  	s14 =	simm.s32 @p2 $0x0;
	p2 =	sgt.s32 s16, $0xFFF  }
0x18: {  	s16 =	smov.u32 @p2 s2;
	p2 =	sne.s32 s11, s7  }
.Ltmp1:
0x19: {  	p1 =	slt.u32 s11, $0x2;
	(pc) =	sbr.rel @!p2 .LBB1_6-.Ltmp1, $4  }
0x1a: {  	s15 =	simm.s32 @!p1 $0x2  }
0x1b: {  	s13 =	smov.u32 s10;
	p0 =	por !p0, !p0;
	_ =	swait.ge @!p1 [sflag:s15], $0x2000  }
0x1c: {  	s12 =	smov.u32 s9;
	[sflag:s15] =	ssyncset.done @!p1 $0x0;
	s9 =	smov.u32 s14  }
0x1d: {  	s11 =	sadd.s32 $0x1, s11;
	[sflag:s15] =	ssyncadd.s32 @!p1 $0xFFFFE000;
	s10 =	smov.u32 s16  }
.LBB1_1:
0x1e: {  	p1 =	sge.u32 s11, s5  }
0x1f: {  	s14 =	sand.u32 @!p1 $0x1FFFFFF, s9  }
0x20: {  	s15 =	smulhi.u32 @!p1 $0x147AE15, s14;
	_ =	sdelay $0x1  }
0x21: {  	s15 =	smul.u32 @!p1 $0xC8, s15  }
0x22: {  	s16 =	sxor.u32 @!p1 $0xFFFFFFFF, s11;
	s17 =	smul.u32 @!p1 $0xC80, s10  }
0x23: {  	s31 =	sadd.s32 $0xFFFFFFFF, s11;
	s16 =	sshll.u32 @!p1 s16, $0xD;
	s14 =	ssub.s32 @!p1 s14, s15  }
0x24: {  	s15 =	sand.u32 @!p1 $0x2000, s16;
	s16 =	sadd.s32 @!p1 s6, s17;
	s14 =	sshll.u32 @!p1 s14, $0x4  }
0x25: {  	s17 =	simm.s32 @!p1 $0x6400;
	s14 =	sadd.s32 @!p1 s14, s16;
	s16 =	simm.s32 @!p1 $0x40  }
0x26: {  	[tilespmem:s15], [sflag:$0x1] =	stream.strided.gather @!p1 [hbm4b:s14+s16], $0x2000, s17, s16, $0x38;
	[tilespmem:$0x8080] =	vst v63  }
0x27: {  	p1 =	sge.u32 s31, s5  }
.Ltmp2:
0x28: {  	_ = 	snop;
	(pc) =	sbr.rel @p1 .LBB1_5-.Ltmp2, $1  }
0x29: {  	_ =	sdelay $0x3  }
0x2a: {  	s14 =	simm.s32 $0x1  }
0x2b: {  	_ =	swait.ge [sflag:s4], $0x2000;
	s14 =	simm.s32 @!p0 $0x0  }
0x2c: {  	[sflag:s4] =	ssyncset.done $0x0;
	s15 =	sshll.u32 s14, $0xD  }
0x2d: {  	[sflag:s4] =	ssyncadd.s32 $0xFFFFE000;
	s18 =	sor.u32 $0x20, s15  }
0x2e: {  	s14 =	smul.u32 $0x8100, s14;
	v3 =	vld [tilespmem:s18+$0x10]  }
0x2f: {  	s30 =	sand.u32 $0x1, s11;
	v2 =	vld [tilespmem:s18+$0xFFFFFFF0]  }
0x30: {  	s15 =	smul.u32 $0x8100, s30;
	s14 =	sshrl.u32 s14, $0x2;
	v0 =	vld [tilespmem:s18+$0x0]  }
0x31: {  	v1 =	vld [tilespmem:s18+$0xFFFFFFE0];
	s16 =	sor.u32 $0x4000, s14  }
0x32: {  	s31 =	sshrl.u32 s15, $0x2;
	s15 =	sadd.s32 $0x0, s16  }
0x33: {  	s17 =	simm.s32 $0x4;
	s18 =	sadd.s32 $0x40, s18;
	s14 =	sor.u32 $0x4000, s31;
	[tilespmem:s15+$0x1830 ss:$0x81] =	vst.msk $0xffff, v3  }
.LBB1_3:
0x34: {  	v3 =	vld [tilespmem:s18+$0x10];
	p1 =	sne.s32 s17, $0x1FC;
	[tilespmem:s15+$0x810 ss:$0x81] =	vst.msk $0xffff, v2;
	s19 =	smov.u32 s17;
	s17 =	sadd.s32 $0x4, s17  }
.Ltmp3:
0x35: {  	v2 =	vld [tilespmem:s18+$0xFFFFFFF0];
	[tilespmem:s15+$0x1020 ss:$0x81] =	vst.msk $0xffff, v0;
	(pc) =	sbr.rel @p1 .LBB1_3-.Ltmp3, $4  }
0x36: {  	v0 =	vld [tilespmem:s18+$0x0];
	[tilespmem:s15+$0x0 ss:$0x81] =	vst.msk $0xffff, v1  }
0x37: {  	s15 =	sshra.s32 s19, $0x2;
	v1 =	vld [tilespmem:s18+$0xFFFFFFE0]  }
0x38: {  	s15 =	sadd.s32 s15, s16  }
0x39: {  	s18 =	sadd.s32 $0x40, s18;
	[tilespmem:s15+$0x1830 ss:$0x81] =	vst.msk $0xffff, v3  }
.Ltmp4:
0x3a: {  	_ = 	snop;
	(pc) =	sbr.rel .LBB1_4-.Ltmp4, $1  }
0x3b: {  	_ =	sdelay $0x3  }
.LBB1_6:
0x3c: {  	_ =	sfence.sel $0x180000  }
0x3d: {  	s2 =	simm.s32 $0x1;
	[bflag:$0x0] =	sbarrier.arrive $0xFFFF  }
0x3e: {  	s31 =	simm.s32 $0x2;
	[sflag:s2] =	ssyncpa.u1 $0x1  }
0x3f: {  	[sflag:s31] =	ssyncpa.u1 $0x1  }
0x40: {  	p0 =	sne.s32 s0, $0x0;
	_ =	strace $0x9000004A  }
0x41: {  	s0 =	sadd.s32 @!p0 $0x100000, s1;
	[bflag:$0x2] =	sbarrier.arrive $0xFFFF  }
0x42: {  	[sflag:s0] =	ssyncadd.tile.s32 @!p0 $0x1;
	_ =	shalt  }
.Lfunc_end1:
_tile_overlayer_lowered:
.L_overlay_start_2:
0x43: {  	(tag) =	ssettag $0x2  }
0x44: {  	s0 =	rddreg [dreg:$0x0];
	s2 =	stileid.u32  }
0x45: {  	s1 =	rddreg [dreg:$0x1];
	p0 =	sne.s32 s2, $0x0  }
0x46: {  	s3 =	rddreg [dreg:$0x2];
	[bflag:$0x3] =	sbarrier.arrive $0xFFFF;
	s2 =	simm.s32 @!p0 $0x1C01  }
0x47: {  	[timem:s3], [sflag:s2] =	dma.local @!p0 [hbm:s0], s1  }
0x48: {  	s0 =	simm.s32 @!p0 $0x1  }
0x49: {  	_ =	swait.ge @!p0 [sflag:s0], s1  }
0x4a: {  	s1 =	ssub.s32 @!p0 $0x0, s1;
	[sflag:s0] =	ssyncset.done @!p0 $0x0  }
0x4b: {  	[sflag:s0] =	ssyncadd.s32 @!p0 s1  }
0x4c: {  	[bflag:$0x3] =	sbarrier.arrive $0xFFFF  }
0x4d: {  	_ =	shalt  }

</sc_bundles>
